<compile_context>
chip_gen: v7x
topology: tpu7x:2x2x1
jax: 0.10.2.dev20260603
libtpu: 0.0.44.dev20260713+nightly
codegen_flags: <defaults>
</compile_context>

<pallas_src>
import functools

import jax
import jax.numpy as jnp
from jax import lax
from jax.experimental import pallas as pl
from jax.experimental.pallas import tpu as pltpu
from jax.experimental.pallas import tpu_sc as plsc

NUM_EMBEDDINGS = 100000
EMBEDDING_DIM = 128
BATCH = 16384
HIST = 50

NC = 2
NS = 16
NW = NC * NS

ROWS_PER_W = BATCH // NW
CHUNK = 128
KPH = ROWS_PER_W // CHUNK
NCHUNK = HIST * KPH
NBUF = 5
LEAD = 2

_mesh = plsc.VectorSubcoreMesh(
    core_axis_name="c", subcore_axis_name="s", num_cores=NC, num_subcores=NS
)


@functools.partial(
    pl.kernel,
    out_type=jax.ShapeDtypeStruct((HIST, BATCH, EMBEDDING_DIM), jnp.float32),
    mesh=_mesh,
    scratch_types=[
        pltpu.VMEM((HIST, ROWS_PER_W), jnp.int32),
        [pltpu.VMEM((CHUNK, EMBEDDING_DIM), jnp.float32) for _ in range(NBUF)],
        [pltpu.SemaphoreType.DMA for _ in range(NBUF)],
        [pltpu.SemaphoreType.DMA for _ in range(NBUF)],
    ],
)
def _sc_gather(lab_hbm, table_hbm, out_hbm, idx_v, rows, gsem, wsem):
    wid = lax.axis_index("s") * NC + lax.axis_index("c")
    base = wid * ROWS_PER_W
    pltpu.sync_copy(lab_hbm.at[:, pl.ds(base, ROWS_PER_W)], idx_v)

    def idx_slice(c):
        return idx_v.at[c // KPH, pl.ds((c % KPH) * CHUNK, CHUNK)]

    def out_slice(c):
        return out_hbm.at[c // KPH, pl.ds(base + (c % KPH) * CHUNK, CHUNK)]

    for b in range(LEAD):
        pltpu.async_copy(table_hbm.at[idx_slice(b)], rows[b], gsem[b])

    @pl.loop(0, NCHUNK, step=NBUF)
    def _group(j):
        for b in range(NBUF):
            c = j + b
            nxt = c + LEAD
            nb = (b + LEAD) % NBUF

            @pl.when(nxt < NCHUNK)
            def _issue_gather():
                @pl.when(nxt >= NBUF)
                def _reclaim():
                    pltpu.make_async_copy(
                        rows[nb], out_slice(nxt - NBUF), wsem[nb]
                    ).wait()

                pltpu.async_copy(table_hbm.at[idx_slice(nxt)], rows[nb], gsem[nb])

            pltpu.make_async_copy(
                table_hbm.at[idx_slice(c)], rows[b], gsem[b]
            ).wait()
            pltpu.async_copy(rows[b], out_slice(c), wsem[b])

    for b in range(NBUF):
        pltpu.make_async_copy(
            rows[b], out_slice(NCHUNK - NBUF + b), wsem[b]
        ).wait()


def kernel(labels, weight):
    out_t = _sc_gather(labels.T, weight)
    return jnp.transpose(out_t, (1, 0, 2))

# --- scband reference (transcript-rebuilt; emitter-appended) ---
"""Pipeline reference for scband-base-embedding-7928509629360 (READ-ONLY COPY).

The authoritative reference and input builder live on the scoring server;
editing this copy changes nothing except your own understanding.
"""

import jax, jax.numpy as jnp
import numpy as np

NUM_EMBEDDINGS = 100000
EMBEDDING_DIM = 128
BATCH = 16384
HIST = 50
EPS = 1e-5


def poincare_projx(x, c=1.0):
    # Project points onto the open Poincare ball of curvature -c
    maxnorm = (1.0 - EPS) / jnp.sqrt(c)
    norm = jnp.linalg.norm(x, axis=-1, keepdims=True)
    norm = jnp.maximum(norm, 1e-15)
    cond = norm > maxnorm
    projected = x / norm * maxnorm
    return jnp.where(cond, projected, x)


def setup_inputs(seed: int = 0) -> dict:
    key = jax.random.key(seed)
    k1, k2 = jax.random.split(key)
    # stand-in for the loaded prototype file, then projected onto the ball
    prototypes = jax.random.normal(k1, (NUM_EMBEDDINGS, EMBEDDING_DIM), dtype=jnp.float32) * 0.5
    weight = poincare_projx(prototypes)
    labels = jax.random.randint(k2, (BATCH, HIST), 0, NUM_EMBEDDINGS, dtype=jnp.int64 if jax.config.jax_enable_x64 else jnp.int32)
    return {"labels": labels, "weight": weight}


def reference(labels, weight):
    # forward: self.weight[labels]
    return jnp.take(weight, labels, axis=0)

if __name__ == "__main__":
    import jax
    _d = setup_inputs()
    print(jax.jit(kernel)(*tuple(_d.values())))

</pallas_src>

<mosaic_0001>
#map = affine_map<(d0, d1) -> (0, 0)>
#map1 = affine_map<(d0, d1) -> (0, 0, 0)>
module attributes {stable_mosaic.version = 14 : i64} {
  func.func @_sc_gather(%arg0: i32, %arg1: i32, %arg2: memref<50x16384xi32, #tpu.memory_space<hbm>>, %arg3: memref<100000x128xf32, #tpu.memory_space<hbm>>, %arg4: memref<50x16384x128xf32, #tpu.memory_space<hbm>>, %arg5: memref<50x512xi32, #tpu.memory_space<vmem>>, %arg6: memref<128x128xf32, #tpu.memory_space<vmem>>, %arg7: memref<128x128xf32, #tpu.memory_space<vmem>>, %arg8: memref<128x128xf32, #tpu.memory_space<vmem>>, %arg9: memref<128x128xf32, #tpu.memory_space<vmem>>, %arg10: memref<128x128xf32, #tpu.memory_space<vmem>>, %arg11: memref<!tpu.dma_semaphore, #tpu.memory_space<semaphore_mem>>, %arg12: memref<!tpu.dma_semaphore, #tpu.memory_space<semaphore_mem>>, %arg13: memref<!tpu.dma_semaphore, #tpu.memory_space<semaphore_mem>>, %arg14: memref<!tpu.dma_semaphore, #tpu.memory_space<semaphore_mem>>, %arg15: memref<!tpu.dma_semaphore, #tpu.memory_space<semaphore_mem>>, %arg16: memref<!tpu.dma_semaphore, #tpu.memory_space<semaphore_mem>>, %arg17: memref<!tpu.dma_semaphore, #tpu.memory_space<semaphore_mem>>, %arg18: memref<!tpu.dma_semaphore, #tpu.memory_space<semaphore_mem>>, %arg19: memref<!tpu.dma_semaphore, #tpu.memory_space<semaphore_mem>>, %arg20: memref<!tpu.dma_semaphore, #tpu.memory_space<semaphore_mem>>) attributes {dimension_semantics = [#tpu.dimension_semantics<core_parallel>, #tpu.dimension_semantics<subcore_parallel>], iteration_bounds = array<i64: 2, 16>, scalar_prefetch = 0 : i64, scratch_operands = 16 : i64, tpu.core_type = #tpu.core_type<sc_vector_subcore>, window_params = [{transform_indices = #map}, {transform_indices = #map}, {transform_indices = #map1}]} {
    %mul3A = arith.constant 2 : i32
    %mul3A_0 = arith.muli %arg1, %mul3A : i32
    %add3A = arith.addi %mul3A_0, %arg0 : i32
    %mul3A_1 = arith.constant 512 : i32
    %mul3A_2 = arith.muli %add3A, %mul3A_1 : i32
    "tpu.region"() ({
      %run_scoped3A = tpu.sem_alloc : memref<!tpu.dma_semaphore, #tpu.memory_space<semaphore_mem>>
      %dma_start3A_64 = arith.constant 0 : i32
      %dma_start3A_65 = tpu.memref_slice %arg2[%dma_start3A_64, %mul3A_2] : memref<50x16384xi32, #tpu.memory_space<hbm>> -> memref<50x512xi32, #tpu.memory_space<hbm>>
      %dma_start3A_66 = arith.constant 0 : i32
      %dma_start3A_67 = tpu.memref_slice %arg2[%dma_start3A_66, %mul3A_2] : memref<50x16384xi32, #tpu.memory_space<hbm>> -> memref<50x512xi32, #tpu.memory_space<hbm>>
      tpu.enqueue_dma source(%dma_start3A_67 : memref<50x512xi32, #tpu.memory_space<hbm>>) target(%arg5 : memref<50x512xi32, #tpu.memory_space<vmem>>) target_semaphore(%run_scoped3A : memref<!tpu.dma_semaphore, #tpu.memory_space<semaphore_mem>>)
      %dma_wait3A_68 = arith.constant 0 : i32
      %dma_wait3A_69 = tpu.memref_slice %arg2[%dma_wait3A_68, %mul3A_2] : memref<50x16384xi32, #tpu.memory_space<hbm>> -> memref<50x512xi32, #tpu.memory_space<hbm>>
      %dma_wait3A_70 = arith.constant 0 : i32
      %dma_wait3A_71 = tpu.memref_slice %arg2[%dma_wait3A_70, %mul3A_2] : memref<50x16384xi32, #tpu.memory_space<hbm>> -> memref<50x512xi32, #tpu.memory_space<hbm>>
      tpu.wait_dma2 semaphore(%run_scoped3A : memref<!tpu.dma_semaphore, #tpu.memory_space<semaphore_mem>>) src(%dma_wait3A_71 : memref<50x512xi32, #tpu.memory_space<hbm>>) dst(%arg5 : memref<50x512xi32, #tpu.memory_space<vmem>>)
      tpu.yield
    }) : () -> ()
    %dma_start3A = arith.constant 0 : i32
    %dma_start3A_3 = arith.constant 0 : i32
    %dma_start3A_4 = tpu.memref_slice %arg5[%dma_start3A, %dma_start3A_3] : memref<50x512xi32, #tpu.memory_space<vmem>> -> memref<1x128xi32, #tpu.memory_space<vmem>>
    %dma_start3A_5 = tpu.memref_squeeze %dma_start3A_4 : memref<1x128xi32, #tpu.memory_space<vmem>> -> memref<128xi32, #tpu.memory_space<vmem>>
    %dma_start3A_6 = arith.constant 0 : i32
    %dma_start3A_7 = arith.constant 0 : i32
    %dma_start3A_8 = tpu.memref_slice %arg3[%dma_start3A_6, %dma_start3A_7] : memref<100000x128xf32, #tpu.memory_space<hbm>> -> memref<100000x128xf32, #tpu.memory_space<hbm>>
    tpu.enqueue_indirect_dma source(%dma_start3A_8 : memref<100000x128xf32, #tpu.memory_space<hbm>>) target(%arg6 : memref<128x128xf32, #tpu.memory_space<vmem>>) offsets(%dma_start3A_5 : memref<128xi32, #tpu.memory_space<vmem>>) semaphore(%arg11 : memref<!tpu.dma_semaphore, #tpu.memory_space<semaphore_mem>>)
    %dma_start3A_9 = arith.constant 0 : i32
    %dma_start3A_10 = arith.constant 128 : i32
    %dma_start3A_11 = tpu.memref_slice %arg5[%dma_start3A_9, %dma_start3A_10] : memref<50x512xi32, #tpu.memory_space<vmem>> -> memref<1x128xi32, #tpu.memory_space<vmem>>
    %dma_start3A_12 = tpu.memref_squeeze %dma_start3A_11 : memref<1x128xi32, #tpu.memory_space<vmem>> -> memref<128xi32, #tpu.memory_space<vmem>>
    %dma_start3A_13 = arith.constant 0 : i32
    %dma_start3A_14 = arith.constant 0 : i32
    %dma_start3A_15 = tpu.memref_slice %arg3[%dma_start3A_13, %dma_start3A_14] : memref<100000x128xf32, #tpu.memory_space<hbm>> -> memref<100000x128xf32, #tpu.memory_space<hbm>>
    tpu.enqueue_indirect_dma source(%dma_start3A_15 : memref<100000x128xf32, #tpu.memory_space<hbm>>) target(%arg7 : memref<128x128xf32, #tpu.memory_space<vmem>>) offsets(%dma_start3A_12 : memref<128xi32, #tpu.memory_space<vmem>>) semaphore(%arg12 : memref<!tpu.dma_semaphore, #tpu.memory_space<semaphore_mem>>)
    %scan3A = arith.constant 0 : i32
    %scan3A_16 = arith.constant 40 : i32
    %scan3A_17 = arith.addi %scan3A, %scan3A_16 : i32
    %scan3A_18 = arith.constant 1 : i32
    scf.for %scan3A_64 = %scan3A to %scan3A_17 step %scan3A_18  : i32 {
      %mul3A_65 = arith.constant 5 : i32
      %mul3A_66 = arith.muli %scan3A_64, %mul3A_65 : i32
      %add3A_67 = arith.constant 0 : i32
      %add3A_68 = arith.addi %add3A_67, %mul3A_66 : i32
      %add3A_69 = arith.constant 0 : i32
      %add3A_70 = arith.addi %add3A_68, %add3A_69 : i32
      %add3A_71 = arith.constant 2 : i32
      %add3A_72 = arith.addi %add3A_70, %add3A_71 : i32
      %lt3A = arith.constant 200 : i32
      %lt3A_73 = arith.cmpi slt, %add3A_72, %lt3A : i32
      %convert_element_type3A = arith.extui %lt3A_73 : i1 to i32
      %cond3A = arith.constant 0 : i32
      %cond3A_74 = arith.cmpi ne, %convert_element_type3A, %cond3A : i32
      scf.if %cond3A_74 {
        %ge3A = arith.constant 5 : i32
        %ge3A_582 = arith.cmpi sge, %add3A_72, %ge3A : i32
        %convert_element_type3A_583 = arith.extui %ge3A_582 : i1 to i32
        %cond3A_584 = arith.constant 0 : i32
        %cond3A_585 = arith.cmpi ne, %convert_element_type3A_583, %cond3A_584 : i32
        scf.if %cond3A_585 {
          %sub3A_633 = arith.constant 5 : i32
          %sub3A_634 = arith.subi %add3A_72, %sub3A_633 : i32
          %jit3A_635 = arith.constant 4 : i32
          %div3A_636 = arith.divsi %sub3A_634, %jit3A_635 : i32
          %sign3A_637 = arith.constant 0 : i32
          %sign3A_638 = arith.cmpi sgt, %sub3A_634, %sign3A_637 : i32
          %sign3A_639 = arith.extui %sign3A_638 : i1 to i32
          %sign3A_640 = arith.constant 0 : i32
          %sign3A_641 = arith.cmpi slt, %sub3A_634, %sign3A_640 : i32
          %sign3A_642 = arith.extui %sign3A_641 : i1 to i32
          %sign3A_643 = arith.subi %sign3A_639, %sign3A_642 : i32
          %sign3A_644 = arith.constant 0 : i32
          %sign3A_645 = arith.cmpi sgt, %jit3A_635, %sign3A_644 : i32
          %sign3A_646 = arith.extui %sign3A_645 : i1 to i32
          %sign3A_647 = arith.constant 0 : i32
          %sign3A_648 = arith.cmpi slt, %jit3A_635, %sign3A_647 : i32
          %sign3A_649 = arith.extui %sign3A_648 : i1 to i32
          %sign3A_650 = arith.subi %sign3A_646, %sign3A_649 : i32
          %ne3A_651 = arith.cmpi ne, %sign3A_643, %sign3A_650 : i32
          %rem3A_652 = arith.remsi %sub3A_634, %jit3A_635 : i32
          %ne3A_653 = arith.constant 0 : i32
          %ne3A_654 = arith.cmpi ne, %rem3A_652, %ne3A_653 : i32
          %and3A_655 = arith.andi %ne3A_651, %ne3A_654 : i1
          %sub3A_656 = arith.constant 1 : i32
          %sub3A_657 = arith.subi %div3A_636, %sub3A_656 : i32
          %select_n3A_658 = arith.select %and3A_655, %sub3A_657, %div3A_636 : i32
          %jit3A_659 = arith.constant 4 : i32
          %eq3A_660 = arith.constant 0 : i32
          %eq3A_661 = arith.cmpi eq, %jit3A_659, %eq3A_660 : i32
          %jit3A_662 = arith.constant 1 : i32
          %select_n3A_663 = arith.select %eq3A_661, %jit3A_662, %jit3A_659 : i32
          %rem3A_664 = arith.remsi %sub3A_634, %select_n3A_663 : i32
          %ne3A_665 = arith.constant 0 : i32
          %ne3A_666 = arith.cmpi ne, %rem3A_664, %ne3A_665 : i32
          %lt3A_667 = arith.constant 0 : i32
          %lt3A_668 = arith.cmpi slt, %rem3A_664, %lt3A_667 : i32
          %lt3A_669 = arith.constant 0 : i32
          %lt3A_670 = arith.cmpi slt, %select_n3A_663, %lt3A_669 : i32
          %ne3A_671 = arith.xori %lt3A_668, %lt3A_670 : i1
          %and3A_672 = arith.andi %ne3A_671, %ne3A_666 : i1
          %add3A_673 = arith.addi %rem3A_664, %select_n3A_663 : i32
          %select_n3A_674 = arith.select %and3A_672, %add3A_673, %rem3A_664 : i32
          %mul3A_675 = arith.constant 128 : i32
          %mul3A_676 = arith.muli %select_n3A_674, %mul3A_675 : i32
          %add3A_677 = arith.addi %mul3A_2, %mul3A_676 : i32
          %dma_wait3A_678 = arith.constant 0 : i32
          %dma_wait3A_679 = tpu.memref_slice %arg4[%select_n3A_658, %add3A_677, %dma_wait3A_678] : memref<50x16384x128xf32, #tpu.memory_space<hbm>> -> memref<1x128x128xf32, #tpu.memory_space<hbm>>
          %dma_wait3A_680 = tpu.memref_squeeze %dma_wait3A_679 : memref<1x128x128xf32, #tpu.memory_space<hbm>> -> memref<128x128xf32, #tpu.memory_space<hbm>>
          %dma_wait3A_681 = arith.constant 0 : i32
          %dma_wait3A_682 = tpu.memref_slice %arg4[%select_n3A_658, %add3A_677, %dma_wait3A_681] : memref<50x16384x128xf32, #tpu.memory_space<hbm>> -> memref<1x128x128xf32, #tpu.memory_space<hbm>>
          %dma_wait3A_683 = tpu.memref_squeeze %dma_wait3A_682 : memref<1x128x128xf32, #tpu.memory_space<hbm>> -> memref<128x128xf32, #tpu.memory_space<hbm>>
          tpu.wait_dma2 semaphore(%arg18 : memref<!tpu.dma_semaphore, #tpu.memory_space<semaphore_mem>>) src(%arg8 : memref<128x128xf32, #tpu.memory_space<vmem>>) dst(%dma_wait3A_683 : memref<128x128xf32, #tpu.memory_space<hbm>>)
        } else {
        }
        %jit3A_586 = arith.constant 4 : i32
        %div3A_587 = arith.divsi %add3A_72, %jit3A_586 : i32
        %sign3A_588 = arith.constant 0 : i32
        %sign3A_589 = arith.cmpi sgt, %add3A_72, %sign3A_588 : i32
        %sign3A_590 = arith.extui %sign3A_589 : i1 to i32
        %sign3A_591 = arith.constant 0 : i32
        %sign3A_592 = arith.cmpi slt, %add3A_72, %sign3A_591 : i32
        %sign3A_593 = arith.extui %sign3A_592 : i1 to i32
        %sign3A_594 = arith.subi %sign3A_590, %sign3A_593 : i32
        %sign3A_595 = arith.constant 0 : i32
        %sign3A_596 = arith.cmpi sgt, %jit3A_586, %sign3A_595 : i32
        %sign3A_597 = arith.extui %sign3A_596 : i1 to i32
        %sign3A_598 = arith.constant 0 : i32
        %sign3A_599 = arith.cmpi slt, %jit3A_586, %sign3A_598 : i32
        %sign3A_600 = arith.extui %sign3A_599 : i1 to i32
        %sign3A_601 = arith.subi %sign3A_597, %sign3A_600 : i32
        %ne3A_602 = arith.cmpi ne, %sign3A_594, %sign3A_601 : i32
        %rem3A_603 = arith.remsi %add3A_72, %jit3A_586 : i32
        %ne3A_604 = arith.constant 0 : i32
        %ne3A_605 = arith.cmpi ne, %rem3A_603, %ne3A_604 : i32
        %and3A_606 = arith.andi %ne3A_602, %ne3A_605 : i1
        %sub3A_607 = arith.constant 1 : i32
        %sub3A_608 = arith.subi %div3A_587, %sub3A_607 : i32
        %select_n3A_609 = arith.select %and3A_606, %sub3A_608, %div3A_587 : i32
        %jit3A_610 = arith.constant 4 : i32
        %eq3A_611 = arith.constant 0 : i32
        %eq3A_612 = arith.cmpi eq, %jit3A_610, %eq3A_611 : i32
        %jit3A_613 = arith.constant 1 : i32
        %select_n3A_614 = arith.select %eq3A_612, %jit3A_613, %jit3A_610 : i32
        %rem3A_615 = arith.remsi %add3A_72, %select_n3A_614 : i32
        %ne3A_616 = arith.constant 0 : i32
        %ne3A_617 = arith.cmpi ne, %rem3A_615, %ne3A_616 : i32
        %lt3A_618 = arith.constant 0 : i32
        %lt3A_619 = arith.cmpi slt, %rem3A_615, %lt3A_618 : i32
        %lt3A_620 = arith.constant 0 : i32
        %lt3A_621 = arith.cmpi slt, %select_n3A_614, %lt3A_620 : i32
        %ne3A_622 = arith.xori %lt3A_619, %lt3A_621 : i1
        %and3A_623 = arith.andi %ne3A_622, %ne3A_617 : i1
        %add3A_624 = arith.addi %rem3A_615, %select_n3A_614 : i32
        %select_n3A_625 = arith.select %and3A_623, %add3A_624, %rem3A_615 : i32
        %mul3A_626 = arith.constant 128 : i32
        %mul3A_627 = arith.muli %select_n3A_625, %mul3A_626 : i32
        %dma_start3A_628 = tpu.memref_slice %arg5[%select_n3A_609, %mul3A_627] : memref<50x512xi32, #tpu.memory_space<vmem>> -> memref<1x128xi32, #tpu.memory_space<vmem>>
        %dma_start3A_629 = tpu.memref_squeeze %dma_start3A_628 : memref<1x128xi32, #tpu.memory_space<vmem>> -> memref<128xi32, #tpu.memory_space<vmem>>
        %dma_start3A_630 = arith.constant 0 : i32
        %dma_start3A_631 = arith.constant 0 : i32
        %dma_start3A_632 = tpu.memref_slice %arg3[%dma_start3A_630, %dma_start3A_631] : memref<100000x128xf32, #tpu.memory_space<hbm>> -> memref<100000x128xf32, #tpu.memory_space<hbm>>
        tpu.enqueue_indirect_dma source(%dma_start3A_632 : memref<100000x128xf32, #tpu.memory_space<hbm>>) target(%arg8 : memref<128x128xf32, #tpu.memory_space<vmem>>) offsets(%dma_start3A_629 : memref<128xi32, #tpu.memory_space<vmem>>) semaphore(%arg13 : memref<!tpu.dma_semaphore, #tpu.memory_space<semaphore_mem>>)
      } else {
      }
      %jit3A = arith.constant 4 : i32
      %div3A = arith.divsi %add3A_70, %jit3A : i32
      %sign3A = arith.constant 0 : i32
      %sign3A_75 = arith.cmpi sgt, %add3A_70, %sign3A : i32
      %sign3A_76 = arith.extui %sign3A_75 : i1 to i32
      %sign3A_77 = arith.constant 0 : i32
      %sign3A_78 = arith.cmpi slt, %add3A_70, %sign3A_77 : i32
      %sign3A_79 = arith.extui %sign3A_78 : i1 to i32
      %sign3A_80 = arith.subi %sign3A_76, %sign3A_79 : i32
      %sign3A_81 = arith.constant 0 : i32
      %sign3A_82 = arith.cmpi sgt, %jit3A, %sign3A_81 : i32
      %sign3A_83 = arith.extui %sign3A_82 : i1 to i32
      %sign3A_84 = arith.constant 0 : i32
      %sign3A_85 = arith.cmpi slt, %jit3A, %sign3A_84 : i32
      %sign3A_86 = arith.extui %sign3A_85 : i1 to i32
      %sign3A_87 = arith.subi %sign3A_83, %sign3A_86 : i32
      %ne3A = arith.cmpi ne, %sign3A_80, %sign3A_87 : i32
      %rem3A = arith.remsi %add3A_70, %jit3A : i32
      %ne3A_88 = arith.constant 0 : i32
      %ne3A_89 = arith.cmpi ne, %rem3A, %ne3A_88 : i32
      %and3A = arith.andi %ne3A, %ne3A_89 : i1
      %sub3A = arith.constant 1 : i32
      %sub3A_90 = arith.subi %div3A, %sub3A : i32
      %select_n3A = arith.select %and3A, %sub3A_90, %div3A : i32
      %jit3A_91 = arith.constant 4 : i32
      %eq3A = arith.constant 0 : i32
      %eq3A_92 = arith.cmpi eq, %jit3A_91, %eq3A : i32
      %jit3A_93 = arith.constant 1 : i32
      %select_n3A_94 = arith.select %eq3A_92, %jit3A_93, %jit3A_91 : i32
      %rem3A_95 = arith.remsi %add3A_70, %select_n3A_94 : i32
      %ne3A_96 = arith.constant 0 : i32
      %ne3A_97 = arith.cmpi ne, %rem3A_95, %ne3A_96 : i32
      %lt3A_98 = arith.constant 0 : i32
      %lt3A_99 = arith.cmpi slt, %rem3A_95, %lt3A_98 : i32
      %lt3A_100 = arith.constant 0 : i32
      %lt3A_101 = arith.cmpi slt, %select_n3A_94, %lt3A_100 : i32
      %ne3A_102 = arith.xori %lt3A_99, %lt3A_101 : i1
      %and3A_103 = arith.andi %ne3A_102, %ne3A_97 : i1
      %add3A_104 = arith.addi %rem3A_95, %select_n3A_94 : i32
      %select_n3A_105 = arith.select %and3A_103, %add3A_104, %rem3A_95 : i32
      %mul3A_106 = arith.constant 128 : i32
      %mul3A_107 = arith.muli %select_n3A_105, %mul3A_106 : i32
      %dma_wait3A_108 = tpu.memref_slice %arg5[%select_n3A, %mul3A_107] : memref<50x512xi32, #tpu.memory_space<vmem>> -> memref<1x128xi32, #tpu.memory_space<vmem>>
      %dma_wait3A_109 = tpu.memref_squeeze %dma_wait3A_108 : memref<1x128xi32, #tpu.memory_space<vmem>> -> memref<128xi32, #tpu.memory_space<vmem>>
      %dma_wait3A_110 = arith.constant 0 : i32
      %dma_wait3A_111 = arith.constant 0 : i32
      %dma_wait3A_112 = tpu.memref_slice %arg3[%dma_wait3A_110, %dma_wait3A_111] : memref<100000x128xf32, #tpu.memory_space<hbm>> -> memref<100000x128xf32, #tpu.memory_space<hbm>>
      tpu.wait_indirect_dma semaphore(%arg11 : memref<!tpu.dma_semaphore, #tpu.memory_space<semaphore_mem>>) src(%dma_wait3A_112 : memref<100000x128xf32, #tpu.memory_space<hbm>>) dst(%arg6 : memref<128x128xf32, #tpu.memory_space<vmem>>)
      %jit3A_113 = arith.constant 4 : i32
      %div3A_114 = arith.divsi %add3A_70, %jit3A_113 : i32
      %sign3A_115 = arith.constant 0 : i32
      %sign3A_116 = arith.cmpi sgt, %add3A_70, %sign3A_115 : i32
      %sign3A_117 = arith.extui %sign3A_116 : i1 to i32
      %sign3A_118 = arith.constant 0 : i32
      %sign3A_119 = arith.cmpi slt, %add3A_70, %sign3A_118 : i32
      %sign3A_120 = arith.extui %sign3A_119 : i1 to i32
      %sign3A_121 = arith.subi %sign3A_117, %sign3A_120 : i32
      %sign3A_122 = arith.constant 0 : i32
      %sign3A_123 = arith.cmpi sgt, %jit3A_113, %sign3A_122 : i32
      %sign3A_124 = arith.extui %sign3A_123 : i1 to i32
      %sign3A_125 = arith.constant 0 : i32
      %sign3A_126 = arith.cmpi slt, %jit3A_113, %sign3A_125 : i32
      %sign3A_127 = arith.extui %sign3A_126 : i1 to i32
      %sign3A_128 = arith.subi %sign3A_124, %sign3A_127 : i32
      %ne3A_129 = arith.cmpi ne, %sign3A_121, %sign3A_128 : i32
      %rem3A_130 = arith.remsi %add3A_70, %jit3A_113 : i32
      %ne3A_131 = arith.constant 0 : i32
      %ne3A_132 = arith.cmpi ne, %rem3A_130, %ne3A_131 : i32
      %and3A_133 = arith.andi %ne3A_129, %ne3A_132 : i1
      %sub3A_134 = arith.constant 1 : i32
      %sub3A_135 = arith.subi %div3A_114, %sub3A_134 : i32
      %select_n3A_136 = arith.select %and3A_133, %sub3A_135, %div3A_114 : i32
      %jit3A_137 = arith.constant 4 : i32
      %eq3A_138 = arith.constant 0 : i32
      %eq3A_139 = arith.cmpi eq, %jit3A_137, %eq3A_138 : i32
      %jit3A_140 = arith.constant 1 : i32
      %select_n3A_141 = arith.select %eq3A_139, %jit3A_140, %jit3A_137 : i32
      %rem3A_142 = arith.remsi %add3A_70, %select_n3A_141 : i32
      %ne3A_143 = arith.constant 0 : i32
      %ne3A_144 = arith.cmpi ne, %rem3A_142, %ne3A_143 : i32
      %lt3A_145 = arith.constant 0 : i32
      %lt3A_146 = arith.cmpi slt, %rem3A_142, %lt3A_145 : i32
      %lt3A_147 = arith.constant 0 : i32
      %lt3A_148 = arith.cmpi slt, %select_n3A_141, %lt3A_147 : i32
      %ne3A_149 = arith.xori %lt3A_146, %lt3A_148 : i1
      %and3A_150 = arith.andi %ne3A_149, %ne3A_144 : i1
      %add3A_151 = arith.addi %rem3A_142, %select_n3A_141 : i32
      %select_n3A_152 = arith.select %and3A_150, %add3A_151, %rem3A_142 : i32
      %mul3A_153 = arith.constant 128 : i32
      %mul3A_154 = arith.muli %select_n3A_152, %mul3A_153 : i32
      %add3A_155 = arith.addi %mul3A_2, %mul3A_154 : i32
      %dma_start3A_156 = arith.constant 0 : i32
      %dma_start3A_157 = tpu.memref_slice %arg4[%select_n3A_136, %add3A_155, %dma_start3A_156] : memref<50x16384x128xf32, #tpu.memory_space<hbm>> -> memref<1x128x128xf32, #tpu.memory_space<hbm>>
      %dma_start3A_158 = tpu.memref_squeeze %dma_start3A_157 : memref<1x128x128xf32, #tpu.memory_space<hbm>> -> memref<128x128xf32, #tpu.memory_space<hbm>>
      %dma_start3A_159 = arith.constant 0 : i32
      %dma_start3A_160 = tpu.memref_slice %arg4[%select_n3A_136, %add3A_155, %dma_start3A_159] : memref<50x16384x128xf32, #tpu.memory_space<hbm>> -> memref<1x128x128xf32, #tpu.memory_space<hbm>>
      %dma_start3A_161 = tpu.memref_squeeze %dma_start3A_160 : memref<1x128x128xf32, #tpu.memory_space<hbm>> -> memref<128x128xf32, #tpu.memory_space<hbm>>
      tpu.enqueue_dma source(%arg6 : memref<128x128xf32, #tpu.memory_space<vmem>>) target(%dma_start3A_161 : memref<128x128xf32, #tpu.memory_space<hbm>>) target_semaphore(%arg16 : memref<!tpu.dma_semaphore, #tpu.memory_space<semaphore_mem>>)
      %add3A_162 = arith.constant 1 : i32
      %add3A_163 = arith.addi %add3A_68, %add3A_162 : i32
      %add3A_164 = arith.constant 2 : i32
      %add3A_165 = arith.addi %add3A_163, %add3A_164 : i32
      %lt3A_166 = arith.constant 200 : i32
      %lt3A_167 = arith.cmpi slt, %add3A_165, %lt3A_166 : i32
      %convert_element_type3A_168 = arith.extui %lt3A_167 : i1 to i32
      %cond3A_169 = arith.constant 0 : i32
      %cond3A_170 = arith.cmpi ne, %convert_element_type3A_168, %cond3A_169 : i32
      scf.if %cond3A_170 {
        %ge3A = arith.constant 5 : i32
        %ge3A_582 = arith.cmpi sge, %add3A_165, %ge3A : i32
        %convert_element_type3A_583 = arith.extui %ge3A_582 : i1 to i32
        %cond3A_584 = arith.constant 0 : i32
        %cond3A_585 = arith.cmpi ne, %convert_element_type3A_583, %cond3A_584 : i32
        scf.if %cond3A_585 {
          %sub3A_633 = arith.constant 5 : i32
          %sub3A_634 = arith.subi %add3A_165, %sub3A_633 : i32
          %jit3A_635 = arith.constant 4 : i32
          %div3A_636 = arith.divsi %sub3A_634, %jit3A_635 : i32
          %sign3A_637 = arith.constant 0 : i32
          %sign3A_638 = arith.cmpi sgt, %sub3A_634, %sign3A_637 : i32
          %sign3A_639 = arith.extui %sign3A_638 : i1 to i32
          %sign3A_640 = arith.constant 0 : i32
          %sign3A_641 = arith.cmpi slt, %sub3A_634, %sign3A_640 : i32
          %sign3A_642 = arith.extui %sign3A_641 : i1 to i32
          %sign3A_643 = arith.subi %sign3A_639, %sign3A_642 : i32
          %sign3A_644 = arith.constant 0 : i32
          %sign3A_645 = arith.cmpi sgt, %jit3A_635, %sign3A_644 : i32
          %sign3A_646 = arith.extui %sign3A_645 : i1 to i32
          %sign3A_647 = arith.constant 0 : i32
          %sign3A_648 = arith.cmpi slt, %jit3A_635, %sign3A_647 : i32
          %sign3A_649 = arith.extui %sign3A_648 : i1 to i32
          %sign3A_650 = arith.subi %sign3A_646, %sign3A_649 : i32
          %ne3A_651 = arith.cmpi ne, %sign3A_643, %sign3A_650 : i32
          %rem3A_652 = arith.remsi %sub3A_634, %jit3A_635 : i32
          %ne3A_653 = arith.constant 0 : i32
          %ne3A_654 = arith.cmpi ne, %rem3A_652, %ne3A_653 : i32
          %and3A_655 = arith.andi %ne3A_651, %ne3A_654 : i1
          %sub3A_656 = arith.constant 1 : i32
          %sub3A_657 = arith.subi %div3A_636, %sub3A_656 : i32
          %select_n3A_658 = arith.select %and3A_655, %sub3A_657, %div3A_636 : i32
          %jit3A_659 = arith.constant 4 : i32
          %eq3A_660 = arith.constant 0 : i32
          %eq3A_661 = arith.cmpi eq, %jit3A_659, %eq3A_660 : i32
          %jit3A_662 = arith.constant 1 : i32
          %select_n3A_663 = arith.select %eq3A_661, %jit3A_662, %jit3A_659 : i32
          %rem3A_664 = arith.remsi %sub3A_634, %select_n3A_663 : i32
          %ne3A_665 = arith.constant 0 : i32
          %ne3A_666 = arith.cmpi ne, %rem3A_664, %ne3A_665 : i32
          %lt3A_667 = arith.constant 0 : i32
          %lt3A_668 = arith.cmpi slt, %rem3A_664, %lt3A_667 : i32
          %lt3A_669 = arith.constant 0 : i32
          %lt3A_670 = arith.cmpi slt, %select_n3A_663, %lt3A_669 : i32
          %ne3A_671 = arith.xori %lt3A_668, %lt3A_670 : i1
          %and3A_672 = arith.andi %ne3A_671, %ne3A_666 : i1
          %add3A_673 = arith.addi %rem3A_664, %select_n3A_663 : i32
          %select_n3A_674 = arith.select %and3A_672, %add3A_673, %rem3A_664 : i32
          %mul3A_675 = arith.constant 128 : i32
          %mul3A_676 = arith.muli %select_n3A_674, %mul3A_675 : i32
          %add3A_677 = arith.addi %mul3A_2, %mul3A_676 : i32
          %dma_wait3A_678 = arith.constant 0 : i32
          %dma_wait3A_679 = tpu.memref_slice %arg4[%select_n3A_658, %add3A_677, %dma_wait3A_678] : memref<50x16384x128xf32, #tpu.memory_space<hbm>> -> memref<1x128x128xf32, #tpu.memory_space<hbm>>
          %dma_wait3A_680 = tpu.memref_squeeze %dma_wait3A_679 : memref<1x128x128xf32, #tpu.memory_space<hbm>> -> memref<128x128xf32, #tpu.memory_space<hbm>>
          %dma_wait3A_681 = arith.constant 0 : i32
          %dma_wait3A_682 = tpu.memref_slice %arg4[%select_n3A_658, %add3A_677, %dma_wait3A_681] : memref<50x16384x128xf32, #tpu.memory_space<hbm>> -> memref<1x128x128xf32, #tpu.memory_space<hbm>>
          %dma_wait3A_683 = tpu.memref_squeeze %dma_wait3A_682 : memref<1x128x128xf32, #tpu.memory_space<hbm>> -> memref<128x128xf32, #tpu.memory_space<hbm>>
          tpu.wait_dma2 semaphore(%arg19 : memref<!tpu.dma_semaphore, #tpu.memory_space<semaphore_mem>>) src(%arg9 : memref<128x128xf32, #tpu.memory_space<vmem>>) dst(%dma_wait3A_683 : memref<128x128xf32, #tpu.memory_space<hbm>>)
        } else {
        }
        %jit3A_586 = arith.constant 4 : i32
        %div3A_587 = arith.divsi %add3A_165, %jit3A_586 : i32
        %sign3A_588 = arith.constant 0 : i32
        %sign3A_589 = arith.cmpi sgt, %add3A_165, %sign3A_588 : i32
        %sign3A_590 = arith.extui %sign3A_589 : i1 to i32
        %sign3A_591 = arith.constant 0 : i32
        %sign3A_592 = arith.cmpi slt, %add3A_165, %sign3A_591 : i32
        %sign3A_593 = arith.extui %sign3A_592 : i1 to i32
        %sign3A_594 = arith.subi %sign3A_590, %sign3A_593 : i32
        %sign3A_595 = arith.constant 0 : i32
        %sign3A_596 = arith.cmpi sgt, %jit3A_586, %sign3A_595 : i32
        %sign3A_597 = arith.extui %sign3A_596 : i1 to i32
        %sign3A_598 = arith.constant 0 : i32
        %sign3A_599 = arith.cmpi slt, %jit3A_586, %sign3A_598 : i32
        %sign3A_600 = arith.extui %sign3A_599 : i1 to i32
        %sign3A_601 = arith.subi %sign3A_597, %sign3A_600 : i32
        %ne3A_602 = arith.cmpi ne, %sign3A_594, %sign3A_601 : i32
        %rem3A_603 = arith.remsi %add3A_165, %jit3A_586 : i32
        %ne3A_604 = arith.constant 0 : i32
        %ne3A_605 = arith.cmpi ne, %rem3A_603, %ne3A_604 : i32
        %and3A_606 = arith.andi %ne3A_602, %ne3A_605 : i1
        %sub3A_607 = arith.constant 1 : i32
        %sub3A_608 = arith.subi %div3A_587, %sub3A_607 : i32
        %select_n3A_609 = arith.select %and3A_606, %sub3A_608, %div3A_587 : i32
        %jit3A_610 = arith.constant 4 : i32
        %eq3A_611 = arith.constant 0 : i32
        %eq3A_612 = arith.cmpi eq, %jit3A_610, %eq3A_611 : i32
        %jit3A_613 = arith.constant 1 : i32
        %select_n3A_614 = arith.select %eq3A_612, %jit3A_613, %jit3A_610 : i32
        %rem3A_615 = arith.remsi %add3A_165, %select_n3A_614 : i32
        %ne3A_616 = arith.constant 0 : i32
        %ne3A_617 = arith.cmpi ne, %rem3A_615, %ne3A_616 : i32
        %lt3A_618 = arith.constant 0 : i32
        %lt3A_619 = arith.cmpi slt, %rem3A_615, %lt3A_618 : i32
        %lt3A_620 = arith.constant 0 : i32
        %lt3A_621 = arith.cmpi slt, %select_n3A_614, %lt3A_620 : i32
        %ne3A_622 = arith.xori %lt3A_619, %lt3A_621 : i1
        %and3A_623 = arith.andi %ne3A_622, %ne3A_617 : i1
        %add3A_624 = arith.addi %rem3A_615, %select_n3A_614 : i32
        %select_n3A_625 = arith.select %and3A_623, %add3A_624, %rem3A_615 : i32
        %mul3A_626 = arith.constant 128 : i32
        %mul3A_627 = arith.muli %select_n3A_625, %mul3A_626 : i32
        %dma_start3A_628 = tpu.memref_slice %arg5[%select_n3A_609, %mul3A_627] : memref<50x512xi32, #tpu.memory_space<vmem>> -> memref<1x128xi32, #tpu.memory_space<vmem>>
        %dma_start3A_629 = tpu.memref_squeeze %dma_start3A_628 : memref<1x128xi32, #tpu.memory_space<vmem>> -> memref<128xi32, #tpu.memory_space<vmem>>
        %dma_start3A_630 = arith.constant 0 : i32
        %dma_start3A_631 = arith.constant 0 : i32
        %dma_start3A_632 = tpu.memref_slice %arg3[%dma_start3A_630, %dma_start3A_631] : memref<100000x128xf32, #tpu.memory_space<hbm>> -> memref<100000x128xf32, #tpu.memory_space<hbm>>
        tpu.enqueue_indirect_dma source(%dma_start3A_632 : memref<100000x128xf32, #tpu.memory_space<hbm>>) target(%arg9 : memref<128x128xf32, #tpu.memory_space<vmem>>) offsets(%dma_start3A_629 : memref<128xi32, #tpu.memory_space<vmem>>) semaphore(%arg14 : memref<!tpu.dma_semaphore, #tpu.memory_space<semaphore_mem>>)
      } else {
      }
      %jit3A_171 = arith.constant 4 : i32
      %div3A_172 = arith.divsi %add3A_163, %jit3A_171 : i32
      %sign3A_173 = arith.constant 0 : i32
      %sign3A_174 = arith.cmpi sgt, %add3A_163, %sign3A_173 : i32
      %sign3A_175 = arith.extui %sign3A_174 : i1 to i32
      %sign3A_176 = arith.constant 0 : i32
      %sign3A_177 = arith.cmpi slt, %add3A_163, %sign3A_176 : i32
      %sign3A_178 = arith.extui %sign3A_177 : i1 to i32
      %sign3A_179 = arith.subi %sign3A_175, %sign3A_178 : i32
      %sign3A_180 = arith.constant 0 : i32
      %sign3A_181 = arith.cmpi sgt, %jit3A_171, %sign3A_180 : i32
      %sign3A_182 = arith.extui %sign3A_181 : i1 to i32
      %sign3A_183 = arith.constant 0 : i32
      %sign3A_184 = arith.cmpi slt, %jit3A_171, %sign3A_183 : i32
      %sign3A_185 = arith.extui %sign3A_184 : i1 to i32
      %sign3A_186 = arith.subi %sign3A_182, %sign3A_185 : i32
      %ne3A_187 = arith.cmpi ne, %sign3A_179, %sign3A_186 : i32
      %rem3A_188 = arith.remsi %add3A_163, %jit3A_171 : i32
      %ne3A_189 = arith.constant 0 : i32
      %ne3A_190 = arith.cmpi ne, %rem3A_188, %ne3A_189 : i32
      %and3A_191 = arith.andi %ne3A_187, %ne3A_190 : i1
      %sub3A_192 = arith.constant 1 : i32
      %sub3A_193 = arith.subi %div3A_172, %sub3A_192 : i32
      %select_n3A_194 = arith.select %and3A_191, %sub3A_193, %div3A_172 : i32
      %jit3A_195 = arith.constant 4 : i32
      %eq3A_196 = arith.constant 0 : i32
      %eq3A_197 = arith.cmpi eq, %jit3A_195, %eq3A_196 : i32
      %jit3A_198 = arith.constant 1 : i32
      %select_n3A_199 = arith.select %eq3A_197, %jit3A_198, %jit3A_195 : i32
      %rem3A_200 = arith.remsi %add3A_163, %select_n3A_199 : i32
      %ne3A_201 = arith.constant 0 : i32
      %ne3A_202 = arith.cmpi ne, %rem3A_200, %ne3A_201 : i32
      %lt3A_203 = arith.constant 0 : i32
      %lt3A_204 = arith.cmpi slt, %rem3A_200, %lt3A_203 : i32
      %lt3A_205 = arith.constant 0 : i32
      %lt3A_206 = arith.cmpi slt, %select_n3A_199, %lt3A_205 : i32
      %ne3A_207 = arith.xori %lt3A_204, %lt3A_206 : i1
      %and3A_208 = arith.andi %ne3A_207, %ne3A_202 : i1
      %add3A_209 = arith.addi %rem3A_200, %select_n3A_199 : i32
      %select_n3A_210 = arith.select %and3A_208, %add3A_209, %rem3A_200 : i32
      %mul3A_211 = arith.constant 128 : i32
      %mul3A_212 = arith.muli %select_n3A_210, %mul3A_211 : i32
      %dma_wait3A_213 = tpu.memref_slice %arg5[%select_n3A_194, %mul3A_212] : memref<50x512xi32, #tpu.memory_space<vmem>> -> memref<1x128xi32, #tpu.memory_space<vmem>>
      %dma_wait3A_214 = tpu.memref_squeeze %dma_wait3A_213 : memref<1x128xi32, #tpu.memory_space<vmem>> -> memref<128xi32, #tpu.memory_space<vmem>>
      %dma_wait3A_215 = arith.constant 0 : i32
      %dma_wait3A_216 = arith.constant 0 : i32
      %dma_wait3A_217 = tpu.memref_slice %arg3[%dma_wait3A_215, %dma_wait3A_216] : memref<100000x128xf32, #tpu.memory_space<hbm>> -> memref<100000x128xf32, #tpu.memory_space<hbm>>
      tpu.wait_indirect_dma semaphore(%arg12 : memref<!tpu.dma_semaphore, #tpu.memory_space<semaphore_mem>>) src(%dma_wait3A_217 : memref<100000x128xf32, #tpu.memory_space<hbm>>) dst(%arg7 : memref<128x128xf32, #tpu.memory_space<vmem>>)
      %jit3A_218 = arith.constant 4 : i32
      %div3A_219 = arith.divsi %add3A_163, %jit3A_218 : i32
      %sign3A_220 = arith.constant 0 : i32
      %sign3A_221 = arith.cmpi sgt, %add3A_163, %sign3A_220 : i32
      %sign3A_222 = arith.extui %sign3A_221 : i1 to i32
      %sign3A_223 = arith.constant 0 : i32
      %sign3A_224 = arith.cmpi slt, %add3A_163, %sign3A_223 : i32
      %sign3A_225 = arith.extui %sign3A_224 : i1 to i32
      %sign3A_226 = arith.subi %sign3A_222, %sign3A_225 : i32
      %sign3A_227 = arith.constant 0 : i32
      %sign3A_228 = arith.cmpi sgt, %jit3A_218, %sign3A_227 : i32
      %sign3A_229 = arith.extui %sign3A_228 : i1 to i32
      %sign3A_230 = arith.constant 0 : i32
      %sign3A_231 = arith.cmpi slt, %jit3A_218, %sign3A_230 : i32
      %sign3A_232 = arith.extui %sign3A_231 : i1 to i32
      %sign3A_233 = arith.subi %sign3A_229, %sign3A_232 : i32
      %ne3A_234 = arith.cmpi ne, %sign3A_226, %sign3A_233 : i32
      %rem3A_235 = arith.remsi %add3A_163, %jit3A_218 : i32
      %ne3A_236 = arith.constant 0 : i32
      %ne3A_237 = arith.cmpi ne, %rem3A_235, %ne3A_236 : i32
      %and3A_238 = arith.andi %ne3A_234, %ne3A_237 : i1
      %sub3A_239 = arith.constant 1 : i32
      %sub3A_240 = arith.subi %div3A_219, %sub3A_239 : i32
      %select_n3A_241 = arith.select %and3A_238, %sub3A_240, %div3A_219 : i32
      %jit3A_242 = arith.constant 4 : i32
      %eq3A_243 = arith.constant 0 : i32
      %eq3A_244 = arith.cmpi eq, %jit3A_242, %eq3A_243 : i32
      %jit3A_245 = arith.constant 1 : i32
      %select_n3A_246 = arith.select %eq3A_244, %jit3A_245, %jit3A_242 : i32
      %rem3A_247 = arith.remsi %add3A_163, %select_n3A_246 : i32
      %ne3A_248 = arith.constant 0 : i32
      %ne3A_249 = arith.cmpi ne, %rem3A_247, %ne3A_248 : i32
      %lt3A_250 = arith.constant 0 : i32
      %lt3A_251 = arith.cmpi slt, %rem3A_247, %lt3A_250 : i32
      %lt3A_252 = arith.constant 0 : i32
      %lt3A_253 = arith.cmpi slt, %select_n3A_246, %lt3A_252 : i32
      %ne3A_254 = arith.xori %lt3A_251, %lt3A_253 : i1
      %and3A_255 = arith.andi %ne3A_254, %ne3A_249 : i1
      %add3A_256 = arith.addi %rem3A_247, %select_n3A_246 : i32
      %select_n3A_257 = arith.select %and3A_255, %add3A_256, %rem3A_247 : i32
      %mul3A_258 = arith.constant 128 : i32
      %mul3A_259 = arith.muli %select_n3A_257, %mul3A_258 : i32
      %add3A_260 = arith.addi %mul3A_2, %mul3A_259 : i32
      %dma_start3A_261 = arith.constant 0 : i32
      %dma_start3A_262 = tpu.memref_slice %arg4[%select_n3A_241, %add3A_260, %dma_start3A_261] : memref<50x16384x128xf32, #tpu.memory_space<hbm>> -> memref<1x128x128xf32, #tpu.memory_space<hbm>>
      %dma_start3A_263 = tpu.memref_squeeze %dma_start3A_262 : memref<1x128x128xf32, #tpu.memory_space<hbm>> -> memref<128x128xf32, #tpu.memory_space<hbm>>
      %dma_start3A_264 = arith.constant 0 : i32
      %dma_start3A_265 = tpu.memref_slice %arg4[%select_n3A_241, %add3A_260, %dma_start3A_264] : memref<50x16384x128xf32, #tpu.memory_space<hbm>> -> memref<1x128x128xf32, #tpu.memory_space<hbm>>
      %dma_start3A_266 = tpu.memref_squeeze %dma_start3A_265 : memref<1x128x128xf32, #tpu.memory_space<hbm>> -> memref<128x128xf32, #tpu.memory_space<hbm>>
      tpu.enqueue_dma source(%arg7 : memref<128x128xf32, #tpu.memory_space<vmem>>) target(%dma_start3A_266 : memref<128x128xf32, #tpu.memory_space<hbm>>) target_semaphore(%arg17 : memref<!tpu.dma_semaphore, #tpu.memory_space<semaphore_mem>>)
      %add3A_267 = arith.constant 2 : i32
      %add3A_268 = arith.addi %add3A_68, %add3A_267 : i32
      %add3A_269 = arith.constant 2 : i32
      %add3A_270 = arith.addi %add3A_268, %add3A_269 : i32
      %lt3A_271 = arith.constant 200 : i32
      %lt3A_272 = arith.cmpi slt, %add3A_270, %lt3A_271 : i32
      %convert_element_type3A_273 = arith.extui %lt3A_272 : i1 to i32
      %cond3A_274 = arith.constant 0 : i32
      %cond3A_275 = arith.cmpi ne, %convert_element_type3A_273, %cond3A_274 : i32
      scf.if %cond3A_275 {
        %ge3A = arith.constant 5 : i32
        %ge3A_582 = arith.cmpi sge, %add3A_270, %ge3A : i32
        %convert_element_type3A_583 = arith.extui %ge3A_582 : i1 to i32
        %cond3A_584 = arith.constant 0 : i32
        %cond3A_585 = arith.cmpi ne, %convert_element_type3A_583, %cond3A_584 : i32
        scf.if %cond3A_585 {
          %sub3A_633 = arith.constant 5 : i32
          %sub3A_634 = arith.subi %add3A_270, %sub3A_633 : i32
          %jit3A_635 = arith.constant 4 : i32
          %div3A_636 = arith.divsi %sub3A_634, %jit3A_635 : i32
          %sign3A_637 = arith.constant 0 : i32
          %sign3A_638 = arith.cmpi sgt, %sub3A_634, %sign3A_637 : i32
          %sign3A_639 = arith.extui %sign3A_638 : i1 to i32
          %sign3A_640 = arith.constant 0 : i32
          %sign3A_641 = arith.cmpi slt, %sub3A_634, %sign3A_640 : i32
          %sign3A_642 = arith.extui %sign3A_641 : i1 to i32
          %sign3A_643 = arith.subi %sign3A_639, %sign3A_642 : i32
          %sign3A_644 = arith.constant 0 : i32
          %sign3A_645 = arith.cmpi sgt, %jit3A_635, %sign3A_644 : i32
          %sign3A_646 = arith.extui %sign3A_645 : i1 to i32
          %sign3A_647 = arith.constant 0 : i32
          %sign3A_648 = arith.cmpi slt, %jit3A_635, %sign3A_647 : i32
          %sign3A_649 = arith.extui %sign3A_648 : i1 to i32
          %sign3A_650 = arith.subi %sign3A_646, %sign3A_649 : i32
          %ne3A_651 = arith.cmpi ne, %sign3A_643, %sign3A_650 : i32
          %rem3A_652 = arith.remsi %sub3A_634, %jit3A_635 : i32
          %ne3A_653 = arith.constant 0 : i32
          %ne3A_654 = arith.cmpi ne, %rem3A_652, %ne3A_653 : i32
          %and3A_655 = arith.andi %ne3A_651, %ne3A_654 : i1
          %sub3A_656 = arith.constant 1 : i32
          %sub3A_657 = arith.subi %div3A_636, %sub3A_656 : i32
          %select_n3A_658 = arith.select %and3A_655, %sub3A_657, %div3A_636 : i32
          %jit3A_659 = arith.constant 4 : i32
          %eq3A_660 = arith.constant 0 : i32
          %eq3A_661 = arith.cmpi eq, %jit3A_659, %eq3A_660 : i32
          %jit3A_662 = arith.constant 1 : i32
          %select_n3A_663 = arith.select %eq3A_661, %jit3A_662, %jit3A_659 : i32
          %rem3A_664 = arith.remsi %sub3A_634, %select_n3A_663 : i32
          %ne3A_665 = arith.constant 0 : i32
          %ne3A_666 = arith.cmpi ne, %rem3A_664, %ne3A_665 : i32
          %lt3A_667 = arith.constant 0 : i32
          %lt3A_668 = arith.cmpi slt, %rem3A_664, %lt3A_667 : i32
          %lt3A_669 = arith.constant 0 : i32
          %lt3A_670 = arith.cmpi slt, %select_n3A_663, %lt3A_669 : i32
          %ne3A_671 = arith.xori %lt3A_668, %lt3A_670 : i1
          %and3A_672 = arith.andi %ne3A_671, %ne3A_666 : i1
          %add3A_673 = arith.addi %rem3A_664, %select_n3A_663 : i32
          %select_n3A_674 = arith.select %and3A_672, %add3A_673, %rem3A_664 : i32
          %mul3A_675 = arith.constant 128 : i32
          %mul3A_676 = arith.muli %select_n3A_674, %mul3A_675 : i32
          %add3A_677 = arith.addi %mul3A_2, %mul3A_676 : i32
          %dma_wait3A_678 = arith.constant 0 : i32
          %dma_wait3A_679 = tpu.memref_slice %arg4[%select_n3A_658, %add3A_677, %dma_wait3A_678] : memref<50x16384x128xf32, #tpu.memory_space<hbm>> -> memref<1x128x128xf32, #tpu.memory_space<hbm>>
          %dma_wait3A_680 = tpu.memref_squeeze %dma_wait3A_679 : memref<1x128x128xf32, #tpu.memory_space<hbm>> -> memref<128x128xf32, #tpu.memory_space<hbm>>
          %dma_wait3A_681 = arith.constant 0 : i32
          %dma_wait3A_682 = tpu.memref_slice %arg4[%select_n3A_658, %add3A_677, %dma_wait3A_681] : memref<50x16384x128xf32, #tpu.memory_space<hbm>> -> memref<1x128x128xf32, #tpu.memory_space<hbm>>
          %dma_wait3A_683 = tpu.memref_squeeze %dma_wait3A_682 : memref<1x128x128xf32, #tpu.memory_space<hbm>> -> memref<128x128xf32, #tpu.memory_space<hbm>>
          tpu.wait_dma2 semaphore(%arg20 : memref<!tpu.dma_semaphore, #tpu.memory_space<semaphore_mem>>) src(%arg10 : memref<128x128xf32, #tpu.memory_space<vmem>>) dst(%dma_wait3A_683 : memref<128x128xf32, #tpu.memory_space<hbm>>)
        } else {
        }
        %jit3A_586 = arith.constant 4 : i32
        %div3A_587 = arith.divsi %add3A_270, %jit3A_586 : i32
        %sign3A_588 = arith.constant 0 : i32
        %sign3A_589 = arith.cmpi sgt, %add3A_270, %sign3A_588 : i32
        %sign3A_590 = arith.extui %sign3A_589 : i1 to i32
        %sign3A_591 = arith.constant 0 : i32
        %sign3A_592 = arith.cmpi slt, %add3A_270, %sign3A_591 : i32
        %sign3A_593 = arith.extui %sign3A_592 : i1 to i32
        %sign3A_594 = arith.subi %sign3A_590, %sign3A_593 : i32
        %sign3A_595 = arith.constant 0 : i32
        %sign3A_596 = arith.cmpi sgt, %jit3A_586, %sign3A_595 : i32
        %sign3A_597 = arith.extui %sign3A_596 : i1 to i32
        %sign3A_598 = arith.constant 0 : i32
        %sign3A_599 = arith.cmpi slt, %jit3A_586, %sign3A_598 : i32
        %sign3A_600 = arith.extui %sign3A_599 : i1 to i32
        %sign3A_601 = arith.subi %sign3A_597, %sign3A_600 : i32
        %ne3A_602 = arith.cmpi ne, %sign3A_594, %sign3A_601 : i32
        %rem3A_603 = arith.remsi %add3A_270, %jit3A_586 : i32
        %ne3A_604 = arith.constant 0 : i32
        %ne3A_605 = arith.cmpi ne, %rem3A_603, %ne3A_604 : i32
        %and3A_606 = arith.andi %ne3A_602, %ne3A_605 : i1
        %sub3A_607 = arith.constant 1 : i32
        %sub3A_608 = arith.subi %div3A_587, %sub3A_607 : i32
        %select_n3A_609 = arith.select %and3A_606, %sub3A_608, %div3A_587 : i32
        %jit3A_610 = arith.constant 4 : i32
        %eq3A_611 = arith.constant 0 : i32
        %eq3A_612 = arith.cmpi eq, %jit3A_610, %eq3A_611 : i32
        %jit3A_613 = arith.constant 1 : i32
        %select_n3A_614 = arith.select %eq3A_612, %jit3A_613, %jit3A_610 : i32
        %rem3A_615 = arith.remsi %add3A_270, %select_n3A_614 : i32
        %ne3A_616 = arith.constant 0 : i32
        %ne3A_617 = arith.cmpi ne, %rem3A_615, %ne3A_616 : i32
        %lt3A_618 = arith.constant 0 : i32
        %lt3A_619 = arith.cmpi slt, %rem3A_615, %lt3A_618 : i32
        %lt3A_620 = arith.constant 0 : i32
        %lt3A_621 = arith.cmpi slt, %select_n3A_614, %lt3A_620 : i32
        %ne3A_622 = arith.xori %lt3A_619, %lt3A_621 : i1
        %and3A_623 = arith.andi %ne3A_622, %ne3A_617 : i1
        %add3A_624 = arith.addi %rem3A_615, %select_n3A_614 : i32
        %select_n3A_625 = arith.select %and3A_623, %add3A_624, %rem3A_615 : i32
        %mul3A_626 = arith.constant 128 : i32
        %mul3A_627 = arith.muli %select_n3A_625, %mul3A_626 : i32
        %dma_start3A_628 = tpu.memref_slice %arg5[%select_n3A_609, %mul3A_627] : memref<50x512xi32, #tpu.memory_space<vmem>> -> memref<1x128xi32, #tpu.memory_space<vmem>>
        %dma_start3A_629 = tpu.memref_squeeze %dma_start3A_628 : memref<1x128xi32, #tpu.memory_space<vmem>> -> memref<128xi32, #tpu.memory_space<vmem>>
        %dma_start3A_630 = arith.constant 0 : i32
        %dma_start3A_631 = arith.constant 0 : i32
        %dma_start3A_632 = tpu.memref_slice %arg3[%dma_start3A_630, %dma_start3A_631] : memref<100000x128xf32, #tpu.memory_space<hbm>> -> memref<100000x128xf32, #tpu.memory_space<hbm>>
        tpu.enqueue_indirect_dma source(%dma_start3A_632 : memref<100000x128xf32, #tpu.memory_space<hbm>>) target(%arg10 : memref<128x128xf32, #tpu.memory_space<vmem>>) offsets(%dma_start3A_629 : memref<128xi32, #tpu.memory_space<vmem>>) semaphore(%arg15 : memref<!tpu.dma_semaphore, #tpu.memory_space<semaphore_mem>>)
      } else {
      }
      %jit3A_276 = arith.constant 4 : i32
      %div3A_277 = arith.divsi %add3A_268, %jit3A_276 : i32
      %sign3A_278 = arith.constant 0 : i32
      %sign3A_279 = arith.cmpi sgt, %add3A_268, %sign3A_278 : i32
      %sign3A_280 = arith.extui %sign3A_279 : i1 to i32
      %sign3A_281 = arith.constant 0 : i32
      %sign3A_282 = arith.cmpi slt, %add3A_268, %sign3A_281 : i32
      %sign3A_283 = arith.extui %sign3A_282 : i1 to i32
      %sign3A_284 = arith.subi %sign3A_280, %sign3A_283 : i32
      %sign3A_285 = arith.constant 0 : i32
      %sign3A_286 = arith.cmpi sgt, %jit3A_276, %sign3A_285 : i32
      %sign3A_287 = arith.extui %sign3A_286 : i1 to i32
      %sign3A_288 = arith.constant 0 : i32
      %sign3A_289 = arith.cmpi slt, %jit3A_276, %sign3A_288 : i32
      %sign3A_290 = arith.extui %sign3A_289 : i1 to i32
      %sign3A_291 = arith.subi %sign3A_287, %sign3A_290 : i32
      %ne3A_292 = arith.cmpi ne, %sign3A_284, %sign3A_291 : i32
      %rem3A_293 = arith.remsi %add3A_268, %jit3A_276 : i32
      %ne3A_294 = arith.constant 0 : i32
      %ne3A_295 = arith.cmpi ne, %rem3A_293, %ne3A_294 : i32
      %and3A_296 = arith.andi %ne3A_292, %ne3A_295 : i1
      %sub3A_297 = arith.constant 1 : i32
      %sub3A_298 = arith.subi %div3A_277, %sub3A_297 : i32
      %select_n3A_299 = arith.select %and3A_296, %sub3A_298, %div3A_277 : i32
      %jit3A_300 = arith.constant 4 : i32
      %eq3A_301 = arith.constant 0 : i32
      %eq3A_302 = arith.cmpi eq, %jit3A_300, %eq3A_301 : i32
      %jit3A_303 = arith.constant 1 : i32
      %select_n3A_304 = arith.select %eq3A_302, %jit3A_303, %jit3A_300 : i32
      %rem3A_305 = arith.remsi %add3A_268, %select_n3A_304 : i32
      %ne3A_306 = arith.constant 0 : i32
      %ne3A_307 = arith.cmpi ne, %rem3A_305, %ne3A_306 : i32
      %lt3A_308 = arith.constant 0 : i32
      %lt3A_309 = arith.cmpi slt, %rem3A_305, %lt3A_308 : i32
      %lt3A_310 = arith.constant 0 : i32
      %lt3A_311 = arith.cmpi slt, %select_n3A_304, %lt3A_310 : i32
      %ne3A_312 = arith.xori %lt3A_309, %lt3A_311 : i1
      %and3A_313 = arith.andi %ne3A_312, %ne3A_307 : i1
      %add3A_314 = arith.addi %rem3A_305, %select_n3A_304 : i32
      %select_n3A_315 = arith.select %and3A_313, %add3A_314, %rem3A_305 : i32
      %mul3A_316 = arith.constant 128 : i32
      %mul3A_317 = arith.muli %select_n3A_315, %mul3A_316 : i32
      %dma_wait3A_318 = tpu.memref_slice %arg5[%select_n3A_299, %mul3A_317] : memref<50x512xi32, #tpu.memory_space<vmem>> -> memref<1x128xi32, #tpu.memory_space<vmem>>
      %dma_wait3A_319 = tpu.memref_squeeze %dma_wait3A_318 : memref<1x128xi32, #tpu.memory_space<vmem>> -> memref<128xi32, #tpu.memory_space<vmem>>
      %dma_wait3A_320 = arith.constant 0 : i32
      %dma_wait3A_321 = arith.constant 0 : i32
      %dma_wait3A_322 = tpu.memref_slice %arg3[%dma_wait3A_320, %dma_wait3A_321] : memref<100000x128xf32, #tpu.memory_space<hbm>> -> memref<100000x128xf32, #tpu.memory_space<hbm>>
      tpu.wait_indirect_dma semaphore(%arg13 : memref<!tpu.dma_semaphore, #tpu.memory_space<semaphore_mem>>) src(%dma_wait3A_322 : memref<100000x128xf32, #tpu.memory_space<hbm>>) dst(%arg8 : memref<128x128xf32, #tpu.memory_space<vmem>>)
      %jit3A_323 = arith.constant 4 : i32
      %div3A_324 = arith.divsi %add3A_268, %jit3A_323 : i32
      %sign3A_325 = arith.constant 0 : i32
      %sign3A_326 = arith.cmpi sgt, %add3A_268, %sign3A_325 : i32
      %sign3A_327 = arith.extui %sign3A_326 : i1 to i32
      %sign3A_328 = arith.constant 0 : i32
      %sign3A_329 = arith.cmpi slt, %add3A_268, %sign3A_328 : i32
      %sign3A_330 = arith.extui %sign3A_329 : i1 to i32
      %sign3A_331 = arith.subi %sign3A_327, %sign3A_330 : i32
      %sign3A_332 = arith.constant 0 : i32
      %sign3A_333 = arith.cmpi sgt, %jit3A_323, %sign3A_332 : i32
      %sign3A_334 = arith.extui %sign3A_333 : i1 to i32
      %sign3A_335 = arith.constant 0 : i32
      %sign3A_336 = arith.cmpi slt, %jit3A_323, %sign3A_335 : i32
      %sign3A_337 = arith.extui %sign3A_336 : i1 to i32
      %sign3A_338 = arith.subi %sign3A_334, %sign3A_337 : i32
      %ne3A_339 = arith.cmpi ne, %sign3A_331, %sign3A_338 : i32
      %rem3A_340 = arith.remsi %add3A_268, %jit3A_323 : i32
      %ne3A_341 = arith.constant 0 : i32
      %ne3A_342 = arith.cmpi ne, %rem3A_340, %ne3A_341 : i32
      %and3A_343 = arith.andi %ne3A_339, %ne3A_342 : i1
      %sub3A_344 = arith.constant 1 : i32
      %sub3A_345 = arith.subi %div3A_324, %sub3A_344 : i32
      %select_n3A_346 = arith.select %and3A_343, %sub3A_345, %div3A_324 : i32
      %jit3A_347 = arith.constant 4 : i32
      %eq3A_348 = arith.constant 0 : i32
      %eq3A_349 = arith.cmpi eq, %jit3A_347, %eq3A_348 : i32
      %jit3A_350 = arith.constant 1 : i32
      %select_n3A_351 = arith.select %eq3A_349, %jit3A_350, %jit3A_347 : i32
      %rem3A_352 = arith.remsi %add3A_268, %select_n3A_351 : i32
      %ne3A_353 = arith.constant 0 : i32
      %ne3A_354 = arith.cmpi ne, %rem3A_352, %ne3A_353 : i32
      %lt3A_355 = arith.constant 0 : i32
      %lt3A_356 = arith.cmpi slt, %rem3A_352, %lt3A_355 : i32
      %lt3A_357 = arith.constant 0 : i32
      %lt3A_358 = arith.cmpi slt, %select_n3A_351, %lt3A_357 : i32
      %ne3A_359 = arith.xori %lt3A_356, %lt3A_358 : i1
      %and3A_360 = arith.andi %ne3A_359, %ne3A_354 : i1
      %add3A_361 = arith.addi %rem3A_352, %select_n3A_351 : i32
      %select_n3A_362 = arith.select %and3A_360, %add3A_361, %rem3A_352 : i32
      %mul3A_363 = arith.constant 128 : i32
      %mul3A_364 = arith.muli %select_n3A_362, %mul3A_363 : i32
      %add3A_365 = arith.addi %mul3A_2, %mul3A_364 : i32
      %dma_start3A_366 = arith.constant 0 : i32
      %dma_start3A_367 = tpu.memref_slice %arg4[%select_n3A_346, %add3A_365, %dma_start3A_366] : memref<50x16384x128xf32, #tpu.memory_space<hbm>> -> memref<1x128x128xf32, #tpu.memory_space<hbm>>
      %dma_start3A_368 = tpu.memref_squeeze %dma_start3A_367 : memref<1x128x128xf32, #tpu.memory_space<hbm>> -> memref<128x128xf32, #tpu.memory_space<hbm>>
      %dma_start3A_369 = arith.constant 0 : i32
      %dma_start3A_370 = tpu.memref_slice %arg4[%select_n3A_346, %add3A_365, %dma_start3A_369] : memref<50x16384x128xf32, #tpu.memory_space<hbm>> -> memref<1x128x128xf32, #tpu.memory_space<hbm>>
      %dma_start3A_371 = tpu.memref_squeeze %dma_start3A_370 : memref<1x128x128xf32, #tpu.memory_space<hbm>> -> memref<128x128xf32, #tpu.memory_space<hbm>>
      tpu.enqueue_dma source(%arg8 : memref<128x128xf32, #tpu.memory_space<vmem>>) target(%dma_start3A_371 : memref<128x128xf32, #tpu.memory_space<hbm>>) target_semaphore(%arg18 : memref<!tpu.dma_semaphore, #tpu.memory_space<semaphore_mem>>)
      %add3A_372 = arith.constant 3 : i32
      %add3A_373 = arith.addi %add3A_68, %add3A_372 : i32
      %add3A_374 = arith.constant 2 : i32
      %add3A_375 = arith.addi %add3A_373, %add3A_374 : i32
      %lt3A_376 = arith.constant 200 : i32
      %lt3A_377 = arith.cmpi slt, %add3A_375, %lt3A_376 : i32
      %convert_element_type3A_378 = arith.extui %lt3A_377 : i1 to i32
      %cond3A_379 = arith.constant 0 : i32
      %cond3A_380 = arith.cmpi ne, %convert_element_type3A_378, %cond3A_379 : i32
      scf.if %cond3A_380 {
        %ge3A = arith.constant 5 : i32
        %ge3A_582 = arith.cmpi sge, %add3A_375, %ge3A : i32
        %convert_element_type3A_583 = arith.extui %ge3A_582 : i1 to i32
        %cond3A_584 = arith.constant 0 : i32
        %cond3A_585 = arith.cmpi ne, %convert_element_type3A_583, %cond3A_584 : i32
        scf.if %cond3A_585 {
          %sub3A_633 = arith.constant 5 : i32
          %sub3A_634 = arith.subi %add3A_375, %sub3A_633 : i32
          %jit3A_635 = arith.constant 4 : i32
          %div3A_636 = arith.divsi %sub3A_634, %jit3A_635 : i32
          %sign3A_637 = arith.constant 0 : i32
          %sign3A_638 = arith.cmpi sgt, %sub3A_634, %sign3A_637 : i32
          %sign3A_639 = arith.extui %sign3A_638 : i1 to i32
          %sign3A_640 = arith.constant 0 : i32
          %sign3A_641 = arith.cmpi slt, %sub3A_634, %sign3A_640 : i32
          %sign3A_642 = arith.extui %sign3A_641 : i1 to i32
          %sign3A_643 = arith.subi %sign3A_639, %sign3A_642 : i32
          %sign3A_644 = arith.constant 0 : i32
          %sign3A_645 = arith.cmpi sgt, %jit3A_635, %sign3A_644 : i32
          %sign3A_646 = arith.extui %sign3A_645 : i1 to i32
          %sign3A_647 = arith.constant 0 : i32
          %sign3A_648 = arith.cmpi slt, %jit3A_635, %sign3A_647 : i32
          %sign3A_649 = arith.extui %sign3A_648 : i1 to i32
          %sign3A_650 = arith.subi %sign3A_646, %sign3A_649 : i32
          %ne3A_651 = arith.cmpi ne, %sign3A_643, %sign3A_650 : i32
          %rem3A_652 = arith.remsi %sub3A_634, %jit3A_635 : i32
          %ne3A_653 = arith.constant 0 : i32
          %ne3A_654 = arith.cmpi ne, %rem3A_652, %ne3A_653 : i32
          %and3A_655 = arith.andi %ne3A_651, %ne3A_654 : i1
          %sub3A_656 = arith.constant 1 : i32
          %sub3A_657 = arith.subi %div3A_636, %sub3A_656 : i32
          %select_n3A_658 = arith.select %and3A_655, %sub3A_657, %div3A_636 : i32
          %jit3A_659 = arith.constant 4 : i32
          %eq3A_660 = arith.constant 0 : i32
          %eq3A_661 = arith.cmpi eq, %jit3A_659, %eq3A_660 : i32
          %jit3A_662 = arith.constant 1 : i32
          %select_n3A_663 = arith.select %eq3A_661, %jit3A_662, %jit3A_659 : i32
          %rem3A_664 = arith.remsi %sub3A_634, %select_n3A_663 : i32
          %ne3A_665 = arith.constant 0 : i32
          %ne3A_666 = arith.cmpi ne, %rem3A_664, %ne3A_665 : i32
          %lt3A_667 = arith.constant 0 : i32
          %lt3A_668 = arith.cmpi slt, %rem3A_664, %lt3A_667 : i32
          %lt3A_669 = arith.constant 0 : i32
          %lt3A_670 = arith.cmpi slt, %select_n3A_663, %lt3A_669 : i32
          %ne3A_671 = arith.xori %lt3A_668, %lt3A_670 : i1
          %and3A_672 = arith.andi %ne3A_671, %ne3A_666 : i1
          %add3A_673 = arith.addi %rem3A_664, %select_n3A_663 : i32
          %select_n3A_674 = arith.select %and3A_672, %add3A_673, %rem3A_664 : i32
          %mul3A_675 = arith.constant 128 : i32
          %mul3A_676 = arith.muli %select_n3A_674, %mul3A_675 : i32
          %add3A_677 = arith.addi %mul3A_2, %mul3A_676 : i32
          %dma_wait3A_678 = arith.constant 0 : i32
          %dma_wait3A_679 = tpu.memref_slice %arg4[%select_n3A_658, %add3A_677, %dma_wait3A_678] : memref<50x16384x128xf32, #tpu.memory_space<hbm>> -> memref<1x128x128xf32, #tpu.memory_space<hbm>>
          %dma_wait3A_680 = tpu.memref_squeeze %dma_wait3A_679 : memref<1x128x128xf32, #tpu.memory_space<hbm>> -> memref<128x128xf32, #tpu.memory_space<hbm>>
          %dma_wait3A_681 = arith.constant 0 : i32
          %dma_wait3A_682 = tpu.memref_slice %arg4[%select_n3A_658, %add3A_677, %dma_wait3A_681] : memref<50x16384x128xf32, #tpu.memory_space<hbm>> -> memref<1x128x128xf32, #tpu.memory_space<hbm>>
          %dma_wait3A_683 = tpu.memref_squeeze %dma_wait3A_682 : memref<1x128x128xf32, #tpu.memory_space<hbm>> -> memref<128x128xf32, #tpu.memory_space<hbm>>
          tpu.wait_dma2 semaphore(%arg16 : memref<!tpu.dma_semaphore, #tpu.memory_space<semaphore_mem>>) src(%arg6 : memref<128x128xf32, #tpu.memory_space<vmem>>) dst(%dma_wait3A_683 : memref<128x128xf32, #tpu.memory_space<hbm>>)
        } else {
        }
        %jit3A_586 = arith.constant 4 : i32
        %div3A_587 = arith.divsi %add3A_375, %jit3A_586 : i32
        %sign3A_588 = arith.constant 0 : i32
        %sign3A_589 = arith.cmpi sgt, %add3A_375, %sign3A_588 : i32
        %sign3A_590 = arith.extui %sign3A_589 : i1 to i32
        %sign3A_591 = arith.constant 0 : i32
        %sign3A_592 = arith.cmpi slt, %add3A_375, %sign3A_591 : i32
        %sign3A_593 = arith.extui %sign3A_592 : i1 to i32
        %sign3A_594 = arith.subi %sign3A_590, %sign3A_593 : i32
        %sign3A_595 = arith.constant 0 : i32
        %sign3A_596 = arith.cmpi sgt, %jit3A_586, %sign3A_595 : i32
        %sign3A_597 = arith.extui %sign3A_596 : i1 to i32
        %sign3A_598 = arith.constant 0 : i32
        %sign3A_599 = arith.cmpi slt, %jit3A_586, %sign3A_598 : i32
        %sign3A_600 = arith.extui %sign3A_599 : i1 to i32
        %sign3A_601 = arith.subi %sign3A_597, %sign3A_600 : i32
        %ne3A_602 = arith.cmpi ne, %sign3A_594, %sign3A_601 : i32
        %rem3A_603 = arith.remsi %add3A_375, %jit3A_586 : i32
        %ne3A_604 = arith.constant 0 : i32
        %ne3A_605 = arith.cmpi ne, %rem3A_603, %ne3A_604 : i32
        %and3A_606 = arith.andi %ne3A_602, %ne3A_605 : i1
        %sub3A_607 = arith.constant 1 : i32
        %sub3A_608 = arith.subi %div3A_587, %sub3A_607 : i32
        %select_n3A_609 = arith.select %and3A_606, %sub3A_608, %div3A_587 : i32
        %jit3A_610 = arith.constant 4 : i32
        %eq3A_611 = arith.constant 0 : i32
        %eq3A_612 = arith.cmpi eq, %jit3A_610, %eq3A_611 : i32
        %jit3A_613 = arith.constant 1 : i32
        %select_n3A_614 = arith.select %eq3A_612, %jit3A_613, %jit3A_610 : i32
        %rem3A_615 = arith.remsi %add3A_375, %select_n3A_614 : i32
        %ne3A_616 = arith.constant 0 : i32
        %ne3A_617 = arith.cmpi ne, %rem3A_615, %ne3A_616 : i32
        %lt3A_618 = arith.constant 0 : i32
        %lt3A_619 = arith.cmpi slt, %rem3A_615, %lt3A_618 : i32
        %lt3A_620 = arith.constant 0 : i32
        %lt3A_621 = arith.cmpi slt, %select_n3A_614, %lt3A_620 : i32
        %ne3A_622 = arith.xori %lt3A_619, %lt3A_621 : i1
        %and3A_623 = arith.andi %ne3A_622, %ne3A_617 : i1
        %add3A_624 = arith.addi %rem3A_615, %select_n3A_614 : i32
        %select_n3A_625 = arith.select %and3A_623, %add3A_624, %rem3A_615 : i32
        %mul3A_626 = arith.constant 128 : i32
        %mul3A_627 = arith.muli %select_n3A_625, %mul3A_626 : i32
        %dma_start3A_628 = tpu.memref_slice %arg5[%select_n3A_609, %mul3A_627] : memref<50x512xi32, #tpu.memory_space<vmem>> -> memref<1x128xi32, #tpu.memory_space<vmem>>
        %dma_start3A_629 = tpu.memref_squeeze %dma_start3A_628 : memref<1x128xi32, #tpu.memory_space<vmem>> -> memref<128xi32, #tpu.memory_space<vmem>>
        %dma_start3A_630 = arith.constant 0 : i32
        %dma_start3A_631 = arith.constant 0 : i32
        %dma_start3A_632 = tpu.memref_slice %arg3[%dma_start3A_630, %dma_start3A_631] : memref<100000x128xf32, #tpu.memory_space<hbm>> -> memref<100000x128xf32, #tpu.memory_space<hbm>>
        tpu.enqueue_indirect_dma source(%dma_start3A_632 : memref<100000x128xf32, #tpu.memory_space<hbm>>) target(%arg6 : memref<128x128xf32, #tpu.memory_space<vmem>>) offsets(%dma_start3A_629 : memref<128xi32, #tpu.memory_space<vmem>>) semaphore(%arg11 : memref<!tpu.dma_semaphore, #tpu.memory_space<semaphore_mem>>)
      } else {
      }
      %jit3A_381 = arith.constant 4 : i32
      %div3A_382 = arith.divsi %add3A_373, %jit3A_381 : i32
      %sign3A_383 = arith.constant 0 : i32
      %sign3A_384 = arith.cmpi sgt, %add3A_373, %sign3A_383 : i32
      %sign3A_385 = arith.extui %sign3A_384 : i1 to i32
      %sign3A_386 = arith.constant 0 : i32
      %sign3A_387 = arith.cmpi slt, %add3A_373, %sign3A_386 : i32
      %sign3A_388 = arith.extui %sign3A_387 : i1 to i32
      %sign3A_389 = arith.subi %sign3A_385, %sign3A_388 : i32
      %sign3A_390 = arith.constant 0 : i32
      %sign3A_391 = arith.cmpi sgt, %jit3A_381, %sign3A_390 : i32
      %sign3A_392 = arith.extui %sign3A_391 : i1 to i32
      %sign3A_393 = arith.constant 0 : i32
      %sign3A_394 = arith.cmpi slt, %jit3A_381, %sign3A_393 : i32
      %sign3A_395 = arith.extui %sign3A_394 : i1 to i32
      %sign3A_396 = arith.subi %sign3A_392, %sign3A_395 : i32
      %ne3A_397 = arith.cmpi ne, %sign3A_389, %sign3A_396 : i32
      %rem3A_398 = arith.remsi %add3A_373, %jit3A_381 : i32
      %ne3A_399 = arith.constant 0 : i32
      %ne3A_400 = arith.cmpi ne, %rem3A_398, %ne3A_399 : i32
      %and3A_401 = arith.andi %ne3A_397, %ne3A_400 : i1
      %sub3A_402 = arith.constant 1 : i32
      %sub3A_403 = arith.subi %div3A_382, %sub3A_402 : i32
      %select_n3A_404 = arith.select %and3A_401, %sub3A_403, %div3A_382 : i32
      %jit3A_405 = arith.constant 4 : i32
      %eq3A_406 = arith.constant 0 : i32
      %eq3A_407 = arith.cmpi eq, %jit3A_405, %eq3A_406 : i32
      %jit3A_408 = arith.constant 1 : i32
      %select_n3A_409 = arith.select %eq3A_407, %jit3A_408, %jit3A_405 : i32
      %rem3A_410 = arith.remsi %add3A_373, %select_n3A_409 : i32
      %ne3A_411 = arith.constant 0 : i32
      %ne3A_412 = arith.cmpi ne, %rem3A_410, %ne3A_411 : i32
      %lt3A_413 = arith.constant 0 : i32
      %lt3A_414 = arith.cmpi slt, %rem3A_410, %lt3A_413 : i32
      %lt3A_415 = arith.constant 0 : i32
      %lt3A_416 = arith.cmpi slt, %select_n3A_409, %lt3A_415 : i32
      %ne3A_417 = arith.xori %lt3A_414, %lt3A_416 : i1
      %and3A_418 = arith.andi %ne3A_417, %ne3A_412 : i1
      %add3A_419 = arith.addi %rem3A_410, %select_n3A_409 : i32
      %select_n3A_420 = arith.select %and3A_418, %add3A_419, %rem3A_410 : i32
      %mul3A_421 = arith.constant 128 : i32
      %mul3A_422 = arith.muli %select_n3A_420, %mul3A_421 : i32
      %dma_wait3A_423 = tpu.memref_slice %arg5[%select_n3A_404, %mul3A_422] : memref<50x512xi32, #tpu.memory_space<vmem>> -> memref<1x128xi32, #tpu.memory_space<vmem>>
      %dma_wait3A_424 = tpu.memref_squeeze %dma_wait3A_423 : memref<1x128xi32, #tpu.memory_space<vmem>> -> memref<128xi32, #tpu.memory_space<vmem>>
      %dma_wait3A_425 = arith.constant 0 : i32
      %dma_wait3A_426 = arith.constant 0 : i32
      %dma_wait3A_427 = tpu.memref_slice %arg3[%dma_wait3A_425, %dma_wait3A_426] : memref<100000x128xf32, #tpu.memory_space<hbm>> -> memref<100000x128xf32, #tpu.memory_space<hbm>>
      tpu.wait_indirect_dma semaphore(%arg14 : memref<!tpu.dma_semaphore, #tpu.memory_space<semaphore_mem>>) src(%dma_wait3A_427 : memref<100000x128xf32, #tpu.memory_space<hbm>>) dst(%arg9 : memref<128x128xf32, #tpu.memory_space<vmem>>)
      %jit3A_428 = arith.constant 4 : i32
      %div3A_429 = arith.divsi %add3A_373, %jit3A_428 : i32
      %sign3A_430 = arith.constant 0 : i32
      %sign3A_431 = arith.cmpi sgt, %add3A_373, %sign3A_430 : i32
      %sign3A_432 = arith.extui %sign3A_431 : i1 to i32
      %sign3A_433 = arith.constant 0 : i32
      %sign3A_434 = arith.cmpi slt, %add3A_373, %sign3A_433 : i32
      %sign3A_435 = arith.extui %sign3A_434 : i1 to i32
      %sign3A_436 = arith.subi %sign3A_432, %sign3A_435 : i32
      %sign3A_437 = arith.constant 0 : i32
      %sign3A_438 = arith.cmpi sgt, %jit3A_428, %sign3A_437 : i32
      %sign3A_439 = arith.extui %sign3A_438 : i1 to i32
      %sign3A_440 = arith.constant 0 : i32
      %sign3A_441 = arith.cmpi slt, %jit3A_428, %sign3A_440 : i32
      %sign3A_442 = arith.extui %sign3A_441 : i1 to i32
      %sign3A_443 = arith.subi %sign3A_439, %sign3A_442 : i32
      %ne3A_444 = arith.cmpi ne, %sign3A_436, %sign3A_443 : i32
      %rem3A_445 = arith.remsi %add3A_373, %jit3A_428 : i32
      %ne3A_446 = arith.constant 0 : i32
      %ne3A_447 = arith.cmpi ne, %rem3A_445, %ne3A_446 : i32
      %and3A_448 = arith.andi %ne3A_444, %ne3A_447 : i1
      %sub3A_449 = arith.constant 1 : i32
      %sub3A_450 = arith.subi %div3A_429, %sub3A_449 : i32
      %select_n3A_451 = arith.select %and3A_448, %sub3A_450, %div3A_429 : i32
      %jit3A_452 = arith.constant 4 : i32
      %eq3A_453 = arith.constant 0 : i32
      %eq3A_454 = arith.cmpi eq, %jit3A_452, %eq3A_453 : i32
      %jit3A_455 = arith.constant 1 : i32
      %select_n3A_456 = arith.select %eq3A_454, %jit3A_455, %jit3A_452 : i32
      %rem3A_457 = arith.remsi %add3A_373, %select_n3A_456 : i32
      %ne3A_458 = arith.constant 0 : i32
      %ne3A_459 = arith.cmpi ne, %rem3A_457, %ne3A_458 : i32
      %lt3A_460 = arith.constant 0 : i32
      %lt3A_461 = arith.cmpi slt, %rem3A_457, %lt3A_460 : i32
      %lt3A_462 = arith.constant 0 : i32
      %lt3A_463 = arith.cmpi slt, %select_n3A_456, %lt3A_462 : i32
      %ne3A_464 = arith.xori %lt3A_461, %lt3A_463 : i1
      %and3A_465 = arith.andi %ne3A_464, %ne3A_459 : i1
      %add3A_466 = arith.addi %rem3A_457, %select_n3A_456 : i32
      %select_n3A_467 = arith.select %and3A_465, %add3A_466, %rem3A_457 : i32
      %mul3A_468 = arith.constant 128 : i32
      %mul3A_469 = arith.muli %select_n3A_467, %mul3A_468 : i32
      %add3A_470 = arith.addi %mul3A_2, %mul3A_469 : i32
      %dma_start3A_471 = arith.constant 0 : i32
      %dma_start3A_472 = tpu.memref_slice %arg4[%select_n3A_451, %add3A_470, %dma_start3A_471] : memref<50x16384x128xf32, #tpu.memory_space<hbm>> -> memref<1x128x128xf32, #tpu.memory_space<hbm>>
      %dma_start3A_473 = tpu.memref_squeeze %dma_start3A_472 : memref<1x128x128xf32, #tpu.memory_space<hbm>> -> memref<128x128xf32, #tpu.memory_space<hbm>>
      %dma_start3A_474 = arith.constant 0 : i32
      %dma_start3A_475 = tpu.memref_slice %arg4[%select_n3A_451, %add3A_470, %dma_start3A_474] : memref<50x16384x128xf32, #tpu.memory_space<hbm>> -> memref<1x128x128xf32, #tpu.memory_space<hbm>>
      %dma_start3A_476 = tpu.memref_squeeze %dma_start3A_475 : memref<1x128x128xf32, #tpu.memory_space<hbm>> -> memref<128x128xf32, #tpu.memory_space<hbm>>
      tpu.enqueue_dma source(%arg9 : memref<128x128xf32, #tpu.memory_space<vmem>>) target(%dma_start3A_476 : memref<128x128xf32, #tpu.memory_space<hbm>>) target_semaphore(%arg19 : memref<!tpu.dma_semaphore, #tpu.memory_space<semaphore_mem>>)
      %add3A_477 = arith.constant 4 : i32
      %add3A_478 = arith.addi %add3A_68, %add3A_477 : i32
      %add3A_479 = arith.constant 2 : i32
      %add3A_480 = arith.addi %add3A_478, %add3A_479 : i32
      %lt3A_481 = arith.constant 200 : i32
      %lt3A_482 = arith.cmpi slt, %add3A_480, %lt3A_481 : i32
      %convert_element_type3A_483 = arith.extui %lt3A_482 : i1 to i32
      %cond3A_484 = arith.constant 0 : i32
      %cond3A_485 = arith.cmpi ne, %convert_element_type3A_483, %cond3A_484 : i32
      scf.if %cond3A_485 {
        %ge3A = arith.constant 5 : i32
        %ge3A_582 = arith.cmpi sge, %add3A_480, %ge3A : i32
        %convert_element_type3A_583 = arith.extui %ge3A_582 : i1 to i32
        %cond3A_584 = arith.constant 0 : i32
        %cond3A_585 = arith.cmpi ne, %convert_element_type3A_583, %cond3A_584 : i32
        scf.if %cond3A_585 {
          %sub3A_633 = arith.constant 5 : i32
          %sub3A_634 = arith.subi %add3A_480, %sub3A_633 : i32
          %jit3A_635 = arith.constant 4 : i32
          %div3A_636 = arith.divsi %sub3A_634, %jit3A_635 : i32
          %sign3A_637 = arith.constant 0 : i32
          %sign3A_638 = arith.cmpi sgt, %sub3A_634, %sign3A_637 : i32
          %sign3A_639 = arith.extui %sign3A_638 : i1 to i32
          %sign3A_640 = arith.constant 0 : i32
          %sign3A_641 = arith.cmpi slt, %sub3A_634, %sign3A_640 : i32
          %sign3A_642 = arith.extui %sign3A_641 : i1 to i32
          %sign3A_643 = arith.subi %sign3A_639, %sign3A_642 : i32
          %sign3A_644 = arith.constant 0 : i32
          %sign3A_645 = arith.cmpi sgt, %jit3A_635, %sign3A_644 : i32
          %sign3A_646 = arith.extui %sign3A_645 : i1 to i32
          %sign3A_647 = arith.constant 0 : i32
          %sign3A_648 = arith.cmpi slt, %jit3A_635, %sign3A_647 : i32
          %sign3A_649 = arith.extui %sign3A_648 : i1 to i32
          %sign3A_650 = arith.subi %sign3A_646, %sign3A_649 : i32
          %ne3A_651 = arith.cmpi ne, %sign3A_643, %sign3A_650 : i32
          %rem3A_652 = arith.remsi %sub3A_634, %jit3A_635 : i32
          %ne3A_653 = arith.constant 0 : i32
          %ne3A_654 = arith.cmpi ne, %rem3A_652, %ne3A_653 : i32
          %and3A_655 = arith.andi %ne3A_651, %ne3A_654 : i1
          %sub3A_656 = arith.constant 1 : i32
          %sub3A_657 = arith.subi %div3A_636, %sub3A_656 : i32
          %select_n3A_658 = arith.select %and3A_655, %sub3A_657, %div3A_636 : i32
          %jit3A_659 = arith.constant 4 : i32
          %eq3A_660 = arith.constant 0 : i32
          %eq3A_661 = arith.cmpi eq, %jit3A_659, %eq3A_660 : i32
          %jit3A_662 = arith.constant 1 : i32
          %select_n3A_663 = arith.select %eq3A_661, %jit3A_662, %jit3A_659 : i32
          %rem3A_664 = arith.remsi %sub3A_634, %select_n3A_663 : i32
          %ne3A_665 = arith.constant 0 : i32
          %ne3A_666 = arith.cmpi ne, %rem3A_664, %ne3A_665 : i32
          %lt3A_667 = arith.constant 0 : i32
          %lt3A_668 = arith.cmpi slt, %rem3A_664, %lt3A_667 : i32
          %lt3A_669 = arith.constant 0 : i32
          %lt3A_670 = arith.cmpi slt, %select_n3A_663, %lt3A_669 : i32
          %ne3A_671 = arith.xori %lt3A_668, %lt3A_670 : i1
          %and3A_672 = arith.andi %ne3A_671, %ne3A_666 : i1
          %add3A_673 = arith.addi %rem3A_664, %select_n3A_663 : i32
          %select_n3A_674 = arith.select %and3A_672, %add3A_673, %rem3A_664 : i32
          %mul3A_675 = arith.constant 128 : i32
          %mul3A_676 = arith.muli %select_n3A_674, %mul3A_675 : i32
          %add3A_677 = arith.addi %mul3A_2, %mul3A_676 : i32
          %dma_wait3A_678 = arith.constant 0 : i32
          %dma_wait3A_679 = tpu.memref_slice %arg4[%select_n3A_658, %add3A_677, %dma_wait3A_678] : memref<50x16384x128xf32, #tpu.memory_space<hbm>> -> memref<1x128x128xf32, #tpu.memory_space<hbm>>
          %dma_wait3A_680 = tpu.memref_squeeze %dma_wait3A_679 : memref<1x128x128xf32, #tpu.memory_space<hbm>> -> memref<128x128xf32, #tpu.memory_space<hbm>>
          %dma_wait3A_681 = arith.constant 0 : i32
          %dma_wait3A_682 = tpu.memref_slice %arg4[%select_n3A_658, %add3A_677, %dma_wait3A_681] : memref<50x16384x128xf32, #tpu.memory_space<hbm>> -> memref<1x128x128xf32, #tpu.memory_space<hbm>>
          %dma_wait3A_683 = tpu.memref_squeeze %dma_wait3A_682 : memref<1x128x128xf32, #tpu.memory_space<hbm>> -> memref<128x128xf32, #tpu.memory_space<hbm>>
          tpu.wait_dma2 semaphore(%arg17 : memref<!tpu.dma_semaphore, #tpu.memory_space<semaphore_mem>>) src(%arg7 : memref<128x128xf32, #tpu.memory_space<vmem>>) dst(%dma_wait3A_683 : memref<128x128xf32, #tpu.memory_space<hbm>>)
        } else {
        }
        %jit3A_586 = arith.constant 4 : i32
        %div3A_587 = arith.divsi %add3A_480, %jit3A_586 : i32
        %sign3A_588 = arith.constant 0 : i32
        %sign3A_589 = arith.cmpi sgt, %add3A_480, %sign3A_588 : i32
        %sign3A_590 = arith.extui %sign3A_589 : i1 to i32
        %sign3A_591 = arith.constant 0 : i32
        %sign3A_592 = arith.cmpi slt, %add3A_480, %sign3A_591 : i32
        %sign3A_593 = arith.extui %sign3A_592 : i1 to i32
        %sign3A_594 = arith.subi %sign3A_590, %sign3A_593 : i32
        %sign3A_595 = arith.constant 0 : i32
        %sign3A_596 = arith.cmpi sgt, %jit3A_586, %sign3A_595 : i32
        %sign3A_597 = arith.extui %sign3A_596 : i1 to i32
        %sign3A_598 = arith.constant 0 : i32
        %sign3A_599 = arith.cmpi slt, %jit3A_586, %sign3A_598 : i32
        %sign3A_600 = arith.extui %sign3A_599 : i1 to i32
        %sign3A_601 = arith.subi %sign3A_597, %sign3A_600 : i32
        %ne3A_602 = arith.cmpi ne, %sign3A_594, %sign3A_601 : i32
        %rem3A_603 = arith.remsi %add3A_480, %jit3A_586 : i32
        %ne3A_604 = arith.constant 0 : i32
        %ne3A_605 = arith.cmpi ne, %rem3A_603, %ne3A_604 : i32
        %and3A_606 = arith.andi %ne3A_602, %ne3A_605 : i1
        %sub3A_607 = arith.constant 1 : i32
        %sub3A_608 = arith.subi %div3A_587, %sub3A_607 : i32
        %select_n3A_609 = arith.select %and3A_606, %sub3A_608, %div3A_587 : i32
        %jit3A_610 = arith.constant 4 : i32
        %eq3A_611 = arith.constant 0 : i32
        %eq3A_612 = arith.cmpi eq, %jit3A_610, %eq3A_611 : i32
        %jit3A_613 = arith.constant 1 : i32
        %select_n3A_614 = arith.select %eq3A_612, %jit3A_613, %jit3A_610 : i32
        %rem3A_615 = arith.remsi %add3A_480, %select_n3A_614 : i32
        %ne3A_616 = arith.constant 0 : i32
        %ne3A_617 = arith.cmpi ne, %rem3A_615, %ne3A_616 : i32
        %lt3A_618 = arith.constant 0 : i32
        %lt3A_619 = arith.cmpi slt, %rem3A_615, %lt3A_618 : i32
        %lt3A_620 = arith.constant 0 : i32
        %lt3A_621 = arith.cmpi slt, %select_n3A_614, %lt3A_620 : i32
        %ne3A_622 = arith.xori %lt3A_619, %lt3A_621 : i1
        %and3A_623 = arith.andi %ne3A_622, %ne3A_617 : i1
        %add3A_624 = arith.addi %rem3A_615, %select_n3A_614 : i32
        %select_n3A_625 = arith.select %and3A_623, %add3A_624, %rem3A_615 : i32
        %mul3A_626 = arith.constant 128 : i32
        %mul3A_627 = arith.muli %select_n3A_625, %mul3A_626 : i32
        %dma_start3A_628 = tpu.memref_slice %arg5[%select_n3A_609, %mul3A_627] : memref<50x512xi32, #tpu.memory_space<vmem>> -> memref<1x128xi32, #tpu.memory_space<vmem>>
        %dma_start3A_629 = tpu.memref_squeeze %dma_start3A_628 : memref<1x128xi32, #tpu.memory_space<vmem>> -> memref<128xi32, #tpu.memory_space<vmem>>
        %dma_start3A_630 = arith.constant 0 : i32
        %dma_start3A_631 = arith.constant 0 : i32
        %dma_start3A_632 = tpu.memref_slice %arg3[%dma_start3A_630, %dma_start3A_631] : memref<100000x128xf32, #tpu.memory_space<hbm>> -> memref<100000x128xf32, #tpu.memory_space<hbm>>
        tpu.enqueue_indirect_dma source(%dma_start3A_632 : memref<100000x128xf32, #tpu.memory_space<hbm>>) target(%arg7 : memref<128x128xf32, #tpu.memory_space<vmem>>) offsets(%dma_start3A_629 : memref<128xi32, #tpu.memory_space<vmem>>) semaphore(%arg12 : memref<!tpu.dma_semaphore, #tpu.memory_space<semaphore_mem>>)
      } else {
      }
      %jit3A_486 = arith.constant 4 : i32
      %div3A_487 = arith.divsi %add3A_478, %jit3A_486 : i32
      %sign3A_488 = arith.constant 0 : i32
      %sign3A_489 = arith.cmpi sgt, %add3A_478, %sign3A_488 : i32
      %sign3A_490 = arith.extui %sign3A_489 : i1 to i32
      %sign3A_491 = arith.constant 0 : i32
      %sign3A_492 = arith.cmpi slt, %add3A_478, %sign3A_491 : i32
      %sign3A_493 = arith.extui %sign3A_492 : i1 to i32
      %sign3A_494 = arith.subi %sign3A_490, %sign3A_493 : i32
      %sign3A_495 = arith.constant 0 : i32
      %sign3A_496 = arith.cmpi sgt, %jit3A_486, %sign3A_495 : i32
      %sign3A_497 = arith.extui %sign3A_496 : i1 to i32
      %sign3A_498 = arith.constant 0 : i32
      %sign3A_499 = arith.cmpi slt, %jit3A_486, %sign3A_498 : i32
      %sign3A_500 = arith.extui %sign3A_499 : i1 to i32
      %sign3A_501 = arith.subi %sign3A_497, %sign3A_500 : i32
      %ne3A_502 = arith.cmpi ne, %sign3A_494, %sign3A_501 : i32
      %rem3A_503 = arith.remsi %add3A_478, %jit3A_486 : i32
      %ne3A_504 = arith.constant 0 : i32
      %ne3A_505 = arith.cmpi ne, %rem3A_503, %ne3A_504 : i32
      %and3A_506 = arith.andi %ne3A_502, %ne3A_505 : i1
      %sub3A_507 = arith.constant 1 : i32
      %sub3A_508 = arith.subi %div3A_487, %sub3A_507 : i32
      %select_n3A_509 = arith.select %and3A_506, %sub3A_508, %div3A_487 : i32
      %jit3A_510 = arith.constant 4 : i32
      %eq3A_511 = arith.constant 0 : i32
      %eq3A_512 = arith.cmpi eq, %jit3A_510, %eq3A_511 : i32
      %jit3A_513 = arith.constant 1 : i32
      %select_n3A_514 = arith.select %eq3A_512, %jit3A_513, %jit3A_510 : i32
      %rem3A_515 = arith.remsi %add3A_478, %select_n3A_514 : i32
      %ne3A_516 = arith.constant 0 : i32
      %ne3A_517 = arith.cmpi ne, %rem3A_515, %ne3A_516 : i32
      %lt3A_518 = arith.constant 0 : i32
      %lt3A_519 = arith.cmpi slt, %rem3A_515, %lt3A_518 : i32
      %lt3A_520 = arith.constant 0 : i32
      %lt3A_521 = arith.cmpi slt, %select_n3A_514, %lt3A_520 : i32
      %ne3A_522 = arith.xori %lt3A_519, %lt3A_521 : i1
      %and3A_523 = arith.andi %ne3A_522, %ne3A_517 : i1
      %add3A_524 = arith.addi %rem3A_515, %select_n3A_514 : i32
      %select_n3A_525 = arith.select %and3A_523, %add3A_524, %rem3A_515 : i32
      %mul3A_526 = arith.constant 128 : i32
      %mul3A_527 = arith.muli %select_n3A_525, %mul3A_526 : i32
      %dma_wait3A_528 = tpu.memref_slice %arg5[%select_n3A_509, %mul3A_527] : memref<50x512xi32, #tpu.memory_space<vmem>> -> memref<1x128xi32, #tpu.memory_space<vmem>>
      %dma_wait3A_529 = tpu.memref_squeeze %dma_wait3A_528 : memref<1x128xi32, #tpu.memory_space<vmem>> -> memref<128xi32, #tpu.memory_space<vmem>>
      %dma_wait3A_530 = arith.constant 0 : i32
      %dma_wait3A_531 = arith.constant 0 : i32
      %dma_wait3A_532 = tpu.memref_slice %arg3[%dma_wait3A_530, %dma_wait3A_531] : memref<100000x128xf32, #tpu.memory_space<hbm>> -> memref<100000x128xf32, #tpu.memory_space<hbm>>
      tpu.wait_indirect_dma semaphore(%arg15 : memref<!tpu.dma_semaphore, #tpu.memory_space<semaphore_mem>>) src(%dma_wait3A_532 : memref<100000x128xf32, #tpu.memory_space<hbm>>) dst(%arg10 : memref<128x128xf32, #tpu.memory_space<vmem>>)
      %jit3A_533 = arith.constant 4 : i32
      %div3A_534 = arith.divsi %add3A_478, %jit3A_533 : i32
      %sign3A_535 = arith.constant 0 : i32
      %sign3A_536 = arith.cmpi sgt, %add3A_478, %sign3A_535 : i32
      %sign3A_537 = arith.extui %sign3A_536 : i1 to i32
      %sign3A_538 = arith.constant 0 : i32
      %sign3A_539 = arith.cmpi slt, %add3A_478, %sign3A_538 : i32
      %sign3A_540 = arith.extui %sign3A_539 : i1 to i32
      %sign3A_541 = arith.subi %sign3A_537, %sign3A_540 : i32
      %sign3A_542 = arith.constant 0 : i32
      %sign3A_543 = arith.cmpi sgt, %jit3A_533, %sign3A_542 : i32
      %sign3A_544 = arith.extui %sign3A_543 : i1 to i32
      %sign3A_545 = arith.constant 0 : i32
      %sign3A_546 = arith.cmpi slt, %jit3A_533, %sign3A_545 : i32
      %sign3A_547 = arith.extui %sign3A_546 : i1 to i32
      %sign3A_548 = arith.subi %sign3A_544, %sign3A_547 : i32
      %ne3A_549 = arith.cmpi ne, %sign3A_541, %sign3A_548 : i32
      %rem3A_550 = arith.remsi %add3A_478, %jit3A_533 : i32
      %ne3A_551 = arith.constant 0 : i32
      %ne3A_552 = arith.cmpi ne, %rem3A_550, %ne3A_551 : i32
      %and3A_553 = arith.andi %ne3A_549, %ne3A_552 : i1
      %sub3A_554 = arith.constant 1 : i32
      %sub3A_555 = arith.subi %div3A_534, %sub3A_554 : i32
      %select_n3A_556 = arith.select %and3A_553, %sub3A_555, %div3A_534 : i32
      %jit3A_557 = arith.constant 4 : i32
      %eq3A_558 = arith.constant 0 : i32
      %eq3A_559 = arith.cmpi eq, %jit3A_557, %eq3A_558 : i32
      %jit3A_560 = arith.constant 1 : i32
      %select_n3A_561 = arith.select %eq3A_559, %jit3A_560, %jit3A_557 : i32
      %rem3A_562 = arith.remsi %add3A_478, %select_n3A_561 : i32
      %ne3A_563 = arith.constant 0 : i32
      %ne3A_564 = arith.cmpi ne, %rem3A_562, %ne3A_563 : i32
      %lt3A_565 = arith.constant 0 : i32
      %lt3A_566 = arith.cmpi slt, %rem3A_562, %lt3A_565 : i32
      %lt3A_567 = arith.constant 0 : i32
      %lt3A_568 = arith.cmpi slt, %select_n3A_561, %lt3A_567 : i32
      %ne3A_569 = arith.xori %lt3A_566, %lt3A_568 : i1
      %and3A_570 = arith.andi %ne3A_569, %ne3A_564 : i1
      %add3A_571 = arith.addi %rem3A_562, %select_n3A_561 : i32
      %select_n3A_572 = arith.select %and3A_570, %add3A_571, %rem3A_562 : i32
      %mul3A_573 = arith.constant 128 : i32
      %mul3A_574 = arith.muli %select_n3A_572, %mul3A_573 : i32
      %add3A_575 = arith.addi %mul3A_2, %mul3A_574 : i32
      %dma_start3A_576 = arith.constant 0 : i32
      %dma_start3A_577 = tpu.memref_slice %arg4[%select_n3A_556, %add3A_575, %dma_start3A_576] : memref<50x16384x128xf32, #tpu.memory_space<hbm>> -> memref<1x128x128xf32, #tpu.memory_space<hbm>>
      %dma_start3A_578 = tpu.memref_squeeze %dma_start3A_577 : memref<1x128x128xf32, #tpu.memory_space<hbm>> -> memref<128x128xf32, #tpu.memory_space<hbm>>
      %dma_start3A_579 = arith.constant 0 : i32
      %dma_start3A_580 = tpu.memref_slice %arg4[%select_n3A_556, %add3A_575, %dma_start3A_579] : memref<50x16384x128xf32, #tpu.memory_space<hbm>> -> memref<1x128x128xf32, #tpu.memory_space<hbm>>
      %dma_start3A_581 = tpu.memref_squeeze %dma_start3A_580 : memref<1x128x128xf32, #tpu.memory_space<hbm>> -> memref<128x128xf32, #tpu.memory_space<hbm>>
      tpu.enqueue_dma source(%arg10 : memref<128x128xf32, #tpu.memory_space<vmem>>) target(%dma_start3A_581 : memref<128x128xf32, #tpu.memory_space<hbm>>) target_semaphore(%arg20 : memref<!tpu.dma_semaphore, #tpu.memory_space<semaphore_mem>>)
    }
    %scan3A_19 = arith.constant 40 : i32
    %add3A_20 = arith.constant 384 : i32
    %add3A_21 = arith.addi %mul3A_2, %add3A_20 : i32
    %dma_wait3A = arith.constant 48 : i32
    %dma_wait3A_22 = arith.constant 0 : i32
    %dma_wait3A_23 = tpu.memref_slice %arg4[%dma_wait3A, %add3A_21, %dma_wait3A_22] : memref<50x16384x128xf32, #tpu.memory_space<hbm>> -> memref<1x128x128xf32, #tpu.memory_space<hbm>>
    %dma_wait3A_24 = tpu.memref_squeeze %dma_wait3A_23 : memref<1x128x128xf32, #tpu.memory_space<hbm>> -> memref<128x128xf32, #tpu.memory_space<hbm>>
    %dma_wait3A_25 = arith.constant 0 : i32
    %dma_wait3A_26 = tpu.memref_slice %arg4[%dma_wait3A, %add3A_21, %dma_wait3A_25] : memref<50x16384x128xf32, #tpu.memory_space<hbm>> -> memref<1x128x128xf32, #tpu.memory_space<hbm>>
    %dma_wait3A_27 = tpu.memref_squeeze %dma_wait3A_26 : memref<1x128x128xf32, #tpu.memory_space<hbm>> -> memref<128x128xf32, #tpu.memory_space<hbm>>
    tpu.wait_dma2 semaphore(%arg16 : memref<!tpu.dma_semaphore, #tpu.memory_space<semaphore_mem>>) src(%arg6 : memref<128x128xf32, #tpu.memory_space<vmem>>) dst(%dma_wait3A_27 : memref<128x128xf32, #tpu.memory_space<hbm>>)
    %add3A_28 = arith.constant 0 : i32
    %add3A_29 = arith.addi %mul3A_2, %add3A_28 : i32
    %dma_wait3A_30 = arith.constant 49 : i32
    %dma_wait3A_31 = arith.constant 0 : i32
    %dma_wait3A_32 = tpu.memref_slice %arg4[%dma_wait3A_30, %add3A_29, %dma_wait3A_31] : memref<50x16384x128xf32, #tpu.memory_space<hbm>> -> memref<1x128x128xf32, #tpu.memory_space<hbm>>
    %dma_wait3A_33 = tpu.memref_squeeze %dma_wait3A_32 : memref<1x128x128xf32, #tpu.memory_space<hbm>> -> memref<128x128xf32, #tpu.memory_space<hbm>>
    %dma_wait3A_34 = arith.constant 0 : i32
    %dma_wait3A_35 = tpu.memref_slice %arg4[%dma_wait3A_30, %add3A_29, %dma_wait3A_34] : memref<50x16384x128xf32, #tpu.memory_space<hbm>> -> memref<1x128x128xf32, #tpu.memory_space<hbm>>
    %dma_wait3A_36 = tpu.memref_squeeze %dma_wait3A_35 : memref<1x128x128xf32, #tpu.memory_space<hbm>> -> memref<128x128xf32, #tpu.memory_space<hbm>>
    tpu.wait_dma2 semaphore(%arg17 : memref<!tpu.dma_semaphore, #tpu.memory_space<semaphore_mem>>) src(%arg7 : memref<128x128xf32, #tpu.memory_space<vmem>>) dst(%dma_wait3A_36 : memref<128x128xf32, #tpu.memory_space<hbm>>)
    %add3A_37 = arith.constant 128 : i32
    %add3A_38 = arith.addi %mul3A_2, %add3A_37 : i32
    %dma_wait3A_39 = arith.constant 49 : i32
    %dma_wait3A_40 = arith.constant 0 : i32
    %dma_wait3A_41 = tpu.memref_slice %arg4[%dma_wait3A_39, %add3A_38, %dma_wait3A_40] : memref<50x16384x128xf32, #tpu.memory_space<hbm>> -> memref<1x128x128xf32, #tpu.memory_space<hbm>>
    %dma_wait3A_42 = tpu.memref_squeeze %dma_wait3A_41 : memref<1x128x128xf32, #tpu.memory_space<hbm>> -> memref<128x128xf32, #tpu.memory_space<hbm>>
    %dma_wait3A_43 = arith.constant 0 : i32
    %dma_wait3A_44 = tpu.memref_slice %arg4[%dma_wait3A_39, %add3A_38, %dma_wait3A_43] : memref<50x16384x128xf32, #tpu.memory_space<hbm>> -> memref<1x128x128xf32, #tpu.memory_space<hbm>>
    %dma_wait3A_45 = tpu.memref_squeeze %dma_wait3A_44 : memref<1x128x128xf32, #tpu.memory_space<hbm>> -> memref<128x128xf32, #tpu.memory_space<hbm>>
    tpu.wait_dma2 semaphore(%arg18 : memref<!tpu.dma_semaphore, #tpu.memory_space<semaphore_mem>>) src(%arg8 : memref<128x128xf32, #tpu.memory_space<vmem>>) dst(%dma_wait3A_45 : memref<128x128xf32, #tpu.memory_space<hbm>>)
    %add3A_46 = arith.constant 256 : i32
    %add3A_47 = arith.addi %mul3A_2, %add3A_46 : i32
    %dma_wait3A_48 = arith.constant 49 : i32
    %dma_wait3A_49 = arith.constant 0 : i32
    %dma_wait3A_50 = tpu.memref_slice %arg4[%dma_wait3A_48, %add3A_47, %dma_wait3A_49] : memref<50x16384x128xf32, #tpu.memory_space<hbm>> -> memref<1x128x128xf32, #tpu.memory_space<hbm>>
    %dma_wait3A_51 = tpu.memref_squeeze %dma_wait3A_50 : memref<1x128x128xf32, #tpu.memory_space<hbm>> -> memref<128x128xf32, #tpu.memory_space<hbm>>
    %dma_wait3A_52 = arith.constant 0 : i32
    %dma_wait3A_53 = tpu.memref_slice %arg4[%dma_wait3A_48, %add3A_47, %dma_wait3A_52] : memref<50x16384x128xf32, #tpu.memory_space<hbm>> -> memref<1x128x128xf32, #tpu.memory_space<hbm>>
    %dma_wait3A_54 = tpu.memref_squeeze %dma_wait3A_53 : memref<1x128x128xf32, #tpu.memory_space<hbm>> -> memref<128x128xf32, #tpu.memory_space<hbm>>
    tpu.wait_dma2 semaphore(%arg19 : memref<!tpu.dma_semaphore, #tpu.memory_space<semaphore_mem>>) src(%arg9 : memref<128x128xf32, #tpu.memory_space<vmem>>) dst(%dma_wait3A_54 : memref<128x128xf32, #tpu.memory_space<hbm>>)
    %add3A_55 = arith.constant 384 : i32
    %add3A_56 = arith.addi %mul3A_2, %add3A_55 : i32
    %dma_wait3A_57 = arith.constant 49 : i32
    %dma_wait3A_58 = arith.constant 0 : i32
    %dma_wait3A_59 = tpu.memref_slice %arg4[%dma_wait3A_57, %add3A_56, %dma_wait3A_58] : memref<50x16384x128xf32, #tpu.memory_space<hbm>> -> memref<1x128x128xf32, #tpu.memory_space<hbm>>
    %dma_wait3A_60 = tpu.memref_squeeze %dma_wait3A_59 : memref<1x128x128xf32, #tpu.memory_space<hbm>> -> memref<128x128xf32, #tpu.memory_space<hbm>>
    %dma_wait3A_61 = arith.constant 0 : i32
    %dma_wait3A_62 = tpu.memref_slice %arg4[%dma_wait3A_57, %add3A_56, %dma_wait3A_61] : memref<50x16384x128xf32, #tpu.memory_space<hbm>> -> memref<1x128x128xf32, #tpu.memory_space<hbm>>
    %dma_wait3A_63 = tpu.memref_squeeze %dma_wait3A_62 : memref<1x128x128xf32, #tpu.memory_space<hbm>> -> memref<128x128xf32, #tpu.memory_space<hbm>>
    tpu.wait_dma2 semaphore(%arg20 : memref<!tpu.dma_semaphore, #tpu.memory_space<semaphore_mem>>) src(%arg10 : memref<128x128xf32, #tpu.memory_space<vmem>>) dst(%dma_wait3A_63 : memref<128x128xf32, #tpu.memory_space<hbm>>)
    return
  }
}

</mosaic_0001>

<sc_bundles>
// kernel: kernel.3.cloned.1.call-start
scs
__scs_entry_jumppad:
0x0: {  	(pc) =	sbr.rel $0x88, $3  }
0x1: {  	(tag) =	ssettag $0x0;
	lr =	simm.s32 $0x1  }
0x2: {  	[smem:$0x3F9F] =	sst lr;
	_ =	strace $0xD0000000  }
0x3: {  	_ = 	snop  }
0x4: {  	_ = 	snop  }
0x5: {  	_ = 	snop  }
0x6: {  	_ = 	snop  }
0x7: {  	_ = 	snop  }
__scs_overlays_trampoline_lowered:
0x8: {  	[smem:$0x3FAE] =	sst s0  }
0x9: {  	[smem:$0x3FAF] =	sst s1  }
0xa: {  	[smem:$0x3FB0] =	sst s2  }
0xb: {  	[smem:$0x3FB1] =	sst s3  }
0xc: {  	[smem:$0x3FB2] =	sst s4  }
0xd: {  	[smem:$0x3FB3] =	sst s5  }
0xe: {  	[smem:$0x3FB4] =	sst s6  }
0xf: {  	[smem:$0x3FB5] =	sst s7  }
0x10: {  	[smem:$0x3FB6] =	sst s8  }
0x11: {  	[smem:$0x3FB7] =	sst s9;
	s0 =	simm.s32 @!p0 $0x0  }
0x12: {  	s1 =	sld [smem:$0x3F9D];
	s0 =	simm.s32 @p0 $0x1  }
0x13: {  	[smem:$0x3FB8] =	sst s0;
	s0 =	simm.s32 @!p1 $0x0  }
0x14: {  	s2 =	sld [smem:$0x3F9C];
	s0 =	simm.s32 @p1 $0x1  }
0x15: {  	[smem:$0x3FB9] =	sst s0;
	s0 =	simm.s32 @!p2 $0x0  }
0x16: {  	s3 =	sld [smem:$0x3FDB];
	s0 =	simm.s32 @p2 $0x1  }
0x17: {  	s4 =	simm.s32 $0x1BF5;
	[smem:$0x3FBB] =	sst s0  }
0x18: {  	s0 =	sld [smem:$0x3F9E];
	_ =	swait.ge [sflag:s4], $0x0  }
0x19: {  	s7 =	sld [smem:$0x3F9F]  }
0x1a: {  	s8 =	sadd.s32 $0xFFFFE003, lr  }
0x1b: {  	s9 =	sadd.s32 $0xFFFFFEF7, lr;
	s5 =	simm.s32 $0xFFFFFFFF;
	p2 =	slt.u32 s8, $0xFFFFF086  }
0x1c: {  	p1 =	slt.u32 s9, $0xF7A;
	s5 =	simm.s32 @!p2 $0x0  }
0x1d: {  	s5 =	simm.s32 @p1 $0x1;
	p0 =	seq.s32 s7, s2  }
0x1e: {  	s7 =	smul.u32 @!p0 $0xF7A, s2;
	p2 =	seq.s32 @!p0 s5, $0x0  }
0x1f: {  	s9 =	smul.u32 $0xF7A, s1;
	s8 =	simm.s32 @!p0 $0x1BF5;
	p2 =	por !p2, p0  }
0x20: {  	[sflag:s8] =	ssyncset.s32 @!p0 $0xFFFFF086;
	s6 =	sadd.s32 @!p0 s3, s7;
	s7 =	simm.s32 @!p0 $0x108  }
0x21: {  	s3 =	sadd.s32 s3, s9;
	s6 =	sadd.s32 @!p0 $0x88, s6;
	s7 =	simm.s32 @p2 $0x1082  }
0x22: {  	[simem:s7], [sflag:s8] =	dma.local @!p0 [hbm:s6], $0xF7A  }
0x23: {  	s9 =	sor.u32 $0xD0000000, s2;
	s6 =	simm.s32 $0x108;
	_ =	swait.ge @!p0 [sflag:s8], $0x0  }
0x24: {  	s3 =	sadd.s32 $0x88, s3;
	s6 =	simm.s32 @!p1 $0x1082;
	[sflag:s4] =	ssyncset.s32 $0xFFFFF086  }
0x25: {  	[simem:s6], [sflag:s4] =	dma.local [hbm:s3], $0xF7A  }
0x26: {  	[smem:$0x3F9F] =	sst s1;
	(tag) =	ssettag s2;
	_ =	strace s9  }
0x27: {  	s1 =	sld [smem:$0x3FAF]  }
0x28: {  	s2 =	sld [smem:$0x3FB0]  }
0x29: {  	s4 =	sld [smem:$0x3FB2]  }
0x2a: {  	p0 =	seq.s32 s5, $0x0;
	s5 =	sld [smem:$0x3FB3]  }
0x2b: {  	s6 =	sld [smem:$0x3FB4]  }
0x2c: {  	s7 =	sld [smem:$0x3FB5]  }
0x2d: {  	s3 =	simm.s32 $0x108;
	s8 =	sld [smem:$0x3FB6]  }
0x2e: {  	s3 =	simm.s32 @!p0 $0x1082;
	s9 =	sld [smem:$0x3FB7]  }
0x2f: {  	lr =	sadd.s32 s0, s3;
	s0 =	sld [smem:$0x3FAE]  }
0x30: {  	s3 =	sld [smem:$0x3FB1]  }
0x31: {  	[smem:$0x3FBA] =	sst s10  }
0x32: {  	s10 =	sld [smem:$0x3FB8];
	_ =	sdelay $0x3  }
0x33: {  	p0 =	seq.s32 s10, $0x1;
	s10 =	sld [smem:$0x3FBA];
	_ =	sdelay $0x3  }
0x34: {  	[smem:$0x3FBA] =	sst s10  }
0x35: {  	s10 =	sld [smem:$0x3FB9];
	_ =	sdelay $0x3  }
0x36: {  	p1 =	seq.s32 s10, $0x1;
	s10 =	sld [smem:$0x3FBA];
	_ =	sdelay $0x3  }
0x37: {  	[smem:$0x3FBA] =	sst s10  }
0x38: {  	s10 =	sld [smem:$0x3FBB]  }
0x39: {  	_ = 	snop;
	(pc) =	sbr.ind lr, $3  }
0x3a: {  	_ = 	snop  }
0x3b: {  	_ = 	snop  }
0x3c: {  	p2 =	seq.s32 s10, $0x1;
	s10 =	sld [smem:$0x3FBA]  }
0x3d: {  	_ =	shalt  }
0x3e: {  	_ =	shalt  }
0x3f: {  	_ =	shalt  }
0x40: {  	_ =	shalt  }
0x41: {  	_ =	shalt  }
0x42: {  	_ =	shalt  }
0x43: {  	_ =	shalt  }
0x44: {  	_ =	shalt  }
0x45: {  	_ =	shalt  }
0x46: {  	_ =	shalt  }
0x47: {  	_ =	shalt  }
0x48: {  	_ =	shalt  }
0x49: {  	_ =	shalt  }
0x4a: {  	_ =	shalt  }
0x4b: {  	_ =	shalt  }
0x4c: {  	_ =	shalt  }
0x4d: {  	_ =	shalt  }
0x4e: {  	_ =	shalt  }
0x4f: {  	_ =	shalt  }
0x50: {  	_ =	shalt  }
0x51: {  	_ =	shalt  }
0x52: {  	_ =	shalt  }
0x53: {  	_ =	shalt  }
0x54: {  	_ =	shalt  }
0x55: {  	_ =	shalt  }
0x56: {  	_ =	shalt  }
0x57: {  	_ =	shalt  }
0x58: {  	_ =	shalt  }
0x59: {  	_ =	shalt  }
0x5a: {  	_ =	shalt  }
0x5b: {  	_ =	shalt  }
0x5c: {  	_ =	shalt  }
0x5d: {  	_ =	shalt  }
0x5e: {  	_ =	shalt  }
0x5f: {  	_ =	shalt  }
0x60: {  	_ =	shalt  }
0x61: {  	_ =	shalt  }
0x62: {  	_ =	shalt  }
0x63: {  	_ =	shalt  }
0x64: {  	_ =	shalt  }
0x65: {  	_ =	shalt  }
0x66: {  	_ =	shalt  }
0x67: {  	_ =	shalt  }
0x68: {  	_ =	shalt  }
0x69: {  	_ =	shalt  }
0x6a: {  	_ =	shalt  }
0x6b: {  	_ =	shalt  }
0x6c: {  	_ =	shalt  }
0x6d: {  	_ =	shalt  }
0x6e: {  	_ =	shalt  }
0x6f: {  	_ =	shalt  }
0x70: {  	_ =	shalt  }
0x71: {  	_ =	shalt  }
0x72: {  	_ =	shalt  }
0x73: {  	_ =	shalt  }
0x74: {  	_ =	shalt  }
0x75: {  	_ =	shalt  }
0x76: {  	_ =	shalt  }
0x77: {  	_ =	shalt  }
0x78: {  	_ =	shalt  }
0x79: {  	_ =	shalt  }
0x7a: {  	_ =	shalt  }
0x7b: {  	_ =	shalt  }
0x7c: {  	_ =	shalt  }
0x7d: {  	_ =	shalt  }
0x7e: {  	_ =	shalt  }
0x7f: {  	_ =	shalt  }
0x80: {  	_ =	shalt  }
0x81: {  	_ =	shalt  }
0x82: {  	_ =	shalt  }
0x83: {  	_ =	shalt  }
0x84: {  	_ =	shalt  }
0x85: {  	_ =	shalt  }
0x86: {  	_ =	shalt  }
0x87: {  	_ =	shalt  }
.Lfunc_end0:
.L_simem_size_0:
called_computation_lowered:
.L_overlay_start_0:
0x88: {  	s2 =	sld [smem:$0x3FD9]  }
0x89: {  	s3 =	sld [smem:$0x3FFE];
	_ =	sdelay $0x1  }
0x8a: {  	s1 =	srdreg.scid  }
0x8b: {  	s0 =	sand.u32 $0x1, s1  }
0x8c: {  	s18 =	sshll.u32 s0, $0xA;
	s2 =	sadd.s32 s3, s2  }
0x8d: {  	s2 =	sadd.s32 s2, s18  }
0x8e: {  	[smem:$0x3FC6] =	sst s2  }
0x8f: {  	_ = 	snop  }
0x90: {  	s2 =	sld [smem:$0x3FC9]  }
0x91: {  	s19 =	sld [smem:$0x3FC8]  }
0x92: {  	s4 =	sld [smem:$0x3FD0];
	(tm) =	ssettm $0x1  }
0x93: {  	s5 =	sld [smem:$0x3FFB];
	_ =	sdelay $0x3  }
0x94: {  	_ =	strace s5  }
0x95: {  	s5 =	sld [smem:$0x3FFC];
	_ =	sdelay $0x3  }
0x96: {  	_ =	strace s5  }
0x97: {  	s5 =	sld [smem:$0x3FFD];
	_ =	sdelay $0x3  }
0x98: {  	_ =	strace s5  }
0x99: {  	_ =	strace $0x8FFFFFFF  }
0x9a: {  	s20 =	sld [smem:$0x3FDB];
	_ =	sdelay $0x1  }
0x9b: {  	s6 =	simm.s32 $_scs_section_size  }
0x9c: {  	s7 =	simm.s32 $_size__tile_overlayer_lowered;
	s8 =	simm.s32 $_tile_overlayer_lowered  }
0x9d: {  	s23 =	simm.s32 $0x1BFF;
	s22 =	sshll.u32 s8, $0x1;
	s5 =	sadd.s32 s6, s20  }
0x9e: {  	s9 =	simm.s32 $0x0;
	s21 =	sshll.u32 s7, $0x1;
	s7 =	sadd.s32 s22, s5  }
0x9f: {  	[timem:s9], [sflag:s23] =	dma.local [hbm:s7], s21  }
0xa0: {  	_ =	swait.ge [sflag:s23], s21  }
0xa1: {  	s6 =	ssub.s32 $0x0, s21;
	[sflag:s23] =	ssyncset.done $0x0  }
0xa2: {  	[sflag:s23] =	ssyncadd.s32 s6;
	_ =	sdelay $0x1  }
0xa3: {  	s24 =	simm.s32 $0x1B8B  }
0xa4: {  	_ =	swait.ge [sflag:s24], $0x1  }
0xa5: {  	[sflag:s24] =	ssyncset.done $0x0  }
0xa6: {  	s25 =	simm.s32 $0x1B8E;
	[sflag:s24] =	ssyncadd.s32 $0xFFFFFFFF  }
0xa7: {  	s26 =	simm.s32 $execute0_lowered;
	[smem:$0x3FD2] =	sst s25  }
0xa8: {  	s6 =	sshll.u32 s26, $0x1;
	_ =	strace $0x80000046;
	[dreg:$0x1] =	wrdreg $0xFFFFFFFF  }
0xa9: {  	s28 =	simm.s32 $_size_execute0_lowered;
	s5 =	sadd.s32 s5, s6;
	[dreg:$0x0] =	wrdreg $0x0  }
0xaa: {  	s6 =	sshll.u32 s28, $0x1;
	[dreg:$0x2] =	wrdreg s5  }
0xab: {  	[dreg:$0x3] =	wrdreg s6  }
0xac: {  	[dreg:$0x4] =	wrdreg $0xC0  }
0xad: {  	_ =	task [dreg:s9], $0x5FFFF  }
0xae: {  	[dreg:$0x1] =	wrdreg $0xFFFFFFFF  }
0xaf: {  	[dreg:$0x0] =	wrdreg $0x60  }
0xb0: {  	[dreg:$0x2] =	wrdreg s2  }
0xb1: {  	[dreg:$0x3] =	wrdreg s19  }
0xb2: {  	[dreg:$0x4] =	wrdreg s4  }
0xb3: {  	[dreg:$0x5] =	wrdreg $0x9  }
0xb4: {  	_ =	task.clear_ibuf [dreg:s9], $0x6FFFF;
	_ =	strace $0x90000046  }
0xb5: {  	s29 =	simm.s32 $0x9;
	_ =	strace $0x80000048  }
0xb6: {  	_ =	swait.ge [sflag:s29], $0x1  }
0xb7: {  	[sflag:s29] =	ssyncadd.s32 $0xFFFFFFFF  }
0xb8: {  	_ =	strace $0x90000048  }
0xb9: {  	_ =	sfence  }
0xba: {  	s30 =	sld [smem:$0x0];
	_ =	sdelay $0x2  }
0xbb: {  	s31 =	sshll.u32 s1, $0xD;
	s1 =	sshrl.u32 s1, $0x2  }
0xbc: {  	s3 =	sand.u32 $0x4000, s31;
	s1 =	sadd.s32 s1, s30  }
0xbd: {  	s0 =	sor.u32 s3, s0;
	s1 =	sshll.u32 s1, $0x11  }
0xbe: {  	s0 =	sor.u32 s1, s0  }
0xbf: {  	s0 =	sadd.s32 $0x8F2B, s0  }
0xc0: {  	[sflag:s0] =	ssyncadd.remote.s32 $0x1  }
0xc1: {  	_ =	sfence.sel $0xFFFF  }
0xc2: {  	[dreg:$0x0] =	wrdreg $0xFFFFFFFF;
	(pc) =	sbr.abs _section_cstart, $3  }
0xc3: {  	[dreg:$0x1] =	wrdreg $0xFFFFFFFF  }
0xc4: {  	_ =	task.clear_ibuf [dreg:s9], $0x2FFFF;
	_ =	strace $0x9FFFFFFF  }
0xc5: {  	(tm) =	ssettm $0x7FFFFFFF  }
tec
execute0_lowered:
.L_overlay_start_1:
0x0: {  	(tag) =	ssettag $0x1  }
0x1: {  	s0 =	rddreg [dreg:$0x0]  }
0x2: {  	s3 =	srdreg.scid;
	s1 =	simm.s32 $0x0;
	s7 =	stileid.u32  }
0x3: {  	s18 =	simm.s32 $0x80;
	s29 =	simm.s32 $0xB000;
	s11 =	simm.s32 $0xF000  }
0x4: {  	s12 =	simm.s32 $0x1;
	s21 =	simm.s32 $0x13000;
	s3 =	sand.u32 $0x1, s3  }
0x5: {  	s14 =	simm.s32 $0x2;
	s17 =	simm.s32 $0x17000;
	s5 =	ssub.s32 $0x2, s3  }
0x6: {  	s7 =	sshll.u32 s7, $0xA;
	s3 =	sshll.u32 s3, $0x9;
	s6 =	sshrl.u32 s5, $0x1  }
0x7: {  	s15 =	simm.s32 $0x3;
	s6 =	ssub.s32 s5, s6;
	s5 =	sor.u32 s3, s7  }
0x8: {  	s16 =	simm.s32 $0x5;
	[smem:$0x7FF] =	sst s1;
	s0 =	sadd.s32 s0, s5  }
0x9: {  	_ =	strace $0x80000047;
	s31 =	smax.u32 s6, $0x1;
	[dreg:$0x5] =	wrdreg s0  }
0xa: {  	s2 =	simm.s32 $0x0;
	s22 =	simm.s32 $0x0;
	[dreg:$0x6] =	wrdreg s31  }
.LBB2_1:
0xb: {  	[dreg:$0x7] =	wrdreg s2  }
0xc: {  	s0 =	rddreg [dreg:$0x5];
	s3 =	simm.s32 $0x1000;
	s6 =	simm.s32 $0x20000  }
0xd: {  	s4 =	simm.s32 $0x0;
	s20 =	simm.s32 $0xB;
	s19 =	simm.s32 $0x7000  }
0xe: {  	s23 =	simm.s32 $0x400;
	s31 =	simm.s32 $0x1800;
	s24 =	simm.s32 $0x180  }
0xf: {  	s7 =	simm.s32 $0x10000;
	s8 =	simm.s32 $0x800;
	p0 =	por $0x0, $0x0  }
0x10: {  	p1 =	por $0x1, $0x1;
	s25 =	simm.s32 $0x100;
	s28 =	simm.s32 $0x40  }
0x11: {  	[tilespmem:s4], [sflag:$0xB] =	stream.strided.gather [hbm4b:s0+s3], $0x7000, s6, s3, $0x38;
	[tilespmem:$0x1B000] =	vst v63  }
0x12: {  	s0 =	simm.s32 $0xB;
	s3 =	simm.s32 $0x400;
	s10 =	sand.u32 $0xC00, s4  }
0x13: {  	s13 =	sand.u32 $0x180, s24;
	s8 =	sand.u32 $0xC00, s8;
	_ =	swait.ge [sflag:s20], $0x7000  }
0x14: {  	s9 =	sand.u32 $0x180, s4;
	s6 =	sand.u32 @!p0 $0xC00, s31;
	[sflag:s20] =	ssyncset.done $0x0  }
0x15: {  	s24 =	simm.s32 @!p1 $0x8;
	s25 =	sand.u32 $0x1F000, s25;
	[sflag:s20] =	ssyncadd.s32 $0xFFFF9000  }
0x16: {  	s30 =	sand.u32 $0x380, s28;
	s7 =	sand.u32 $0x3FC0000, s7;
	s1 =	rddreg [dreg:$0x1]  }
0x17: {  	[tilespmem:s19], [sflag:$0x1] =	stream.indirect.gather [hbm4b:s1+s18], $0x80, s4, s18, $0xb8;
	[tilespmem:$0x1B000] =	vst v63  }
0x18: {  	s28 =	simm.s32 $0xC00;
	s26 =	sor.u32 s5, s9;
	s8 =	sor.u32 s8, s25  }
0x19: {  	[tilespmem:s29], [sflag:$0x2] =	stream.indirect.gather [hbm4b:s1+s18], $0x80, s23, s18, $0xb8;
	[tilespmem:$0x1B000] =	vst v63  }
0x1a: {  	s13 =	sor.u32 s5, s13;
	s8 =	sor.u32 s30, s8;
	_ =	swait.ge @!p1 [sflag:s24], $0x4000  }
0x1b: {  	s2 =	sshll.u32 s26, $0x7;
	s30 =	simm.s32 $0x180;
	[sflag:s24] =	ssyncset.done @!p1 $0x0  }
0x1c: {  	s23 =	sand.u32 $0xFE00000, s4;
	[sflag:s24] =	ssyncadd.s32 @!p1 $0xFFFFC000;
	s24 =	simm.s32 @!p0 $0x1400  }
0x1d: {  	s20 =	simm.s32 $0x40000;
	s25 =	sor.u32 s23, s2;
	s9 =	sand.u32 @!p0 $0xC00, s24  }
0x1e: {  	[tilespmem:s11], [sflag:$0x3] =	stream.indirect.gather [hbm4b:s1+s18], $0x80, s8, s18, $0xb8;
	[tilespmem:$0x1B000] =	vst v63  }
0x1f: {  	s8 =	sshrl.u32 s25, $0x3;
	s25 =	sand.u32 $0xC00, s28;
	s28 =	simm.s32 $0x60  }
0x20: {  	s24 =	sand.u32 $0x1F000, s30;
	s30 =	simm.s32 $0x80;
	_ =	swait.ge [sflag:s12], $0x4000  }
0x21: {  	s23 =	sand.u32 $0x380, s28;
	s28 =	simm.s32 $0x200;
	[sflag:s12] =	ssyncset.done $0x0  }
0x22: {  	s2 =	rddreg [dreg:$0x2];
	[sflag:s12] =	ssyncadd.s32 $0xFFFFC000;
	s12 =	sand.u32 $0x180, s30  }
0x23: {  	s30 =	simm.s32 $0x100;
	s8 =	sadd.s32 s2, s8;
	s7 =	sadd.s32 s2, s7  }
0x24: {  	[hbm4b:s8+s4] =	stream.linear.scatter [tilespmem:s19], [sflag:$0x6], $0x4000, $0x38;
	[tilespmem:$0x1B000] =	vst v63  }
0x25: {  	s8 =	sor.u32 s25, s24;
	s24 =	simm.s32 @!p1 $0x9;
	s19 =	sor.u32 s5, s12  }
0x26: {  	s12 =	simm.s32 $0x20000;
	s23 =	sor.u32 s23, s8;
	_ =	swait.ge @!p1 [sflag:s24], $0x4000  }
0x27: {  	s8 =	simm.s32 $0x280000;
	s25 =	sshll.u32 s19, $0x4;
	[sflag:s24] =	ssyncset.done @!p1 $0x0  }
0x28: {  	s19 =	simm.s32 $0x30000;
	s7 =	sadd.s32 s25, s7;
	[sflag:s24] =	ssyncadd.s32 @!p1 $0xFFFFC000  }
0x29: {  	[tilespmem:s21], [sflag:$0x4] =	stream.indirect.gather [hbm4b:s1+s18], $0x80, s23, s18, $0xb8;
	[tilespmem:$0x1B000] =	vst v63  }
0x2a: {  	s24 =	sand.u32 $0x1F000, s28;
	s28 =	simm.s32 @!p0 $0x6;
	s23 =	simm.s32 @!p1 $0xA  }
0x2b: {  	s10 =	sor.u32 s10, s24;
	s24 =	simm.s32 @!p0 $0xC0;
	_ =	swait.ge [sflag:s14], $0x4000  }
0x2c: {  	s21 =	sshll.u32 s13, $0x4;
	s24 =	sand.u32 @!p0 $0x380, s24;
	[sflag:s14] =	ssyncset.done $0x0  }
0x2d: {  	[sflag:s14] =	ssyncadd.s32 $0xFFFFC000;
	s14 =	sand.u32 $0x180, s30;
	s30 =	simm.s32 $0x4  }
0x2e: {  	[hbm4b:s7+s4] =	stream.linear.scatter [tilespmem:s29], [sflag:$0x7], $0x4000, $0x38;
	[tilespmem:$0x1B000] =	vst v63  }
0x2f: {  	s29 =	simm.s32 $0x80;
	s25 =	sor.u32 s5, s14;
	_ =	swait.ge @!p1 [sflag:s23], $0x4000  }
0x30: {  	s7 =	sand.u32 $0x380, s29;
	s25 =	sshll.u32 s25, $0x4;
	s29 =	sand.u32 $0x3FC0000, s19  }
0x31: {  	[sflag:s23] =	ssyncset.done @!p1 $0x0;
	s10 =	sor.u32 s7, s10;
	s7 =	sshll.u32 s26, $0x4  }
0x32: {  	s13 =	sadd.s32 s2, s29;
	[sflag:s23] =	ssyncadd.s32 @!p1 $0xFFFFC000;
	s23 =	sand.u32 $0x3FC0000, s12  }
0x33: {  	[tilespmem:s17], [sflag:$0x5] =	stream.indirect.gather [hbm4b:s1+s18], $0x80, s10, s18, $0xb8;
	[tilespmem:$0x1B000] =	vst v63  }
0x34: {  	s26 =	sadd.s32 s21, s13;
	s10 =	simm.s32 @!p0 $0x280;
	s23 =	sadd.s32 s2, s23  }
0x35: {  	s23 =	sadd.s32 s25, s23;
	s25 =	simm.s32 @!p0 $0xA0;
	_ =	swait.ge [sflag:s15], $0x4000  }
0x36: {  	s10 =	sand.u32 @!p0 $0x1F000, s10;
	s25 =	sand.u32 @!p0 $0x380, s25;
	[sflag:s15] =	ssyncset.done $0x0  }
0x37: {  	s9 =	sor.u32 @!p0 s9, s10;
	s10 =	simm.s32 @!p0 $0x300;
	[sflag:s15] =	ssyncadd.s32 $0xFFFFC000  }
0x38: {  	[hbm4b:s23+s4] =	stream.linear.scatter [tilespmem:s11], [sflag:$0x8], $0x4000, $0x38;
	[tilespmem:$0x1B000] =	vst v63  }
0x39: {  	s9 =	sor.u32 @!p0 s25, s9;
	s10 =	sand.u32 @!p0 $0x1F000, s10;
	_ =	swait.ge @!p0 [sflag:s28], $0x4000  }
0x3a: {  	s25 =	simm.s32 @!p0 $0x80;
	s6 =	sor.u32 @!p0 s6, s10;
	[sflag:s28] =	ssyncset.done @!p0 $0x0  }
0x3b: {  	s23 =	sor.u32 @!p0 s24, s6;
	s6 =	simm.s32 @!p0 $0x7000;
	[sflag:s28] =	ssyncadd.s32 @!p0 $0xFFFFC000  }
0x3c: {  	[tilespmem:s6], [sflag:$0x1] =	stream.indirect.gather @!p0 [hbm4b:s1+s25], $0x80, s9, s25, $0xb8;
	[tilespmem:$0x1B000] =	vst v63  }
0x3d: {  	s13 =	simm.s32 $0x90000;
	s24 =	simm.s32 @!p0 $0x7;
	_ =	swait.ge [sflag:s30], $0x4000  }
0x3e: {  	s9 =	simm.s32 $0x80;
	s6 =	simm.s32 $0x400;
	[sflag:s30] =	ssyncset.done $0x0  }
.LBB2_2:
0x3f: {  	s1 =	simm.s32 $0x4;
	s31 =	sadd.s32 $0x1400, s31  }
0x40: {  	s10 =	smov.u32 s0;
	s0 =	sadd.s32 $0x5, s0;
	s28 =	smov.u32 s3  }
0x41: {  	s29 =	smov.u32 s20;
	s30 =	simm.s32 $0x13000;
	s11 =	sadd.s32 $0xFFFD0000, s13  }
0x42: {  	s3 =	sadd.s32 $0x400, s3;
	s20 =	simm.s32 $0x17000;
	[sflag:s1] =	ssyncadd.s32 $0xFFFFC000  }
0x43: {  	p1 =	sne.s32 s0, $0xCE;
	s2 =	sand.u32 $0x3FC0000, s29;
	s19 =	sadd.s32 $0xFFFFF000, s31  }
0x44: {  	s29 =	sand.u32 $0xFE00000, s8;
	s12 =	sadd.s32 $0xFFFFFFFC, s10;
	p2 =	seq.s32 s10, $0x6  }
0x45: {  	[hbm4b:s26+s22] =	stream.linear.scatter [tilespmem:s30], [sflag:$0x9], $0x4000, $0x38;
	[tilespmem:$0x1B000] =	vst v63  }
0x46: {  	s8 =	sadd.s32 $0x280000, s8;
	s30 =	smov.u32 s13;
	_ =	swait.ge @!p0 [sflag:s24], $0x4000  }
0x47: {  	s21 =	sand.u32 $0xC00, s19;
	s14 =	simm.s32 @!p2 $0x8;
	[sflag:s24] =	ssyncset.done @!p0 $0x0  }
0x48: {  	s15 =	sshll.u32 s12, $0x7;
	s12 =	sshll.u32 s12, $0x5;
	s4 =	rddreg [dreg:$0x2]  }
0x49: {  	s19 =	sadd.s32 $0xFFFFF400, s31;
	[sflag:s24] =	ssyncadd.s32 @!p0 $0xFFFFC000;
	s7 =	sadd.s32 s4, s7  }
0x4a: {  	s24 =	simm.s32 @!p0 $0xB000;
	s7 =	sadd.s32 s2, s7;
	s2 =	rddreg [dreg:$0x1]  }
0x4b: {  	[tilespmem:s24], [sflag:$0x2] =	stream.indirect.gather @!p0 [hbm4b:s2+s25], $0x80, s23, s25, $0xb8;
	[tilespmem:$0x1B000] =	vst v63  }
0x4c: {  	s15 =	sand.u32 $0x1F000, s15;
	s12 =	sand.u32 $0x380, s12;
	s25 =	sand.u32 $0xC00, s28  }
0x4d: {  	s28 =	sand.u32 $0x180, s6;
	p0 =	seq.s32 s10, $0xC9;
	s23 =	sand.u32 $0x180, s9  }
0x4e: {  	s9 =	sadd.s32 $0x80, s9;
	_ =	swait.ge [sflag:s16], $0x4000;
	s1 =	sand.u32 @!p0 $0xC00, s31  }
0x4f: {  	s17 =	sor.u32 s5, s23;
	s26 =	sadd.s32 @!p0 $0xFFFFFC00, s31;
	s24 =	sor.u32 s5, s28  }
0x50: {  	s23 =	simm.s32 $0x1;
	[sflag:s16] =	ssyncset.done $0x0;
	[dreg:$0x4] =	wrdreg s1  }
0x51: {  	s26 =	sand.u32 @!p0 $0xC00, s26;
	s1 =	simm.s32 $0xF000;
	[sflag:s16] =	ssyncadd.s32 $0xFFFFC000  }
0x52: {  	[hbm4b:s7+s22] =	stream.linear.scatter [tilespmem:s20], [sflag:$0xA], $0x4000, $0x38;
	[tilespmem:$0x1B000] =	vst v63  }
0x53: {  	s7 =	sor.u32 s21, s15;
	s20 =	sand.u32 $0xC00, s19;
	s19 =	sadd.s32 $0xFFFE0000, s13  }
0x54: {  	s21 =	sadd.s32 $0xFFFFFFFD, s10;
	_ =	swait.ge @!p2 [sflag:s14], $0x4000;
	s7 =	sor.u32 s12, s7  }
0x55: {  	s28 =	sshll.u32 s21, $0x5;
	s19 =	sand.u32 $0x3FC0000, s19;
	[sflag:s14] =	ssyncset.done @!p2 $0x0  }
0x56: {  	[sflag:s14] =	ssyncadd.s32 @!p2 $0xFFFFC000;
	s14 =	sand.u32 $0x3FC0000, s11;
	s11 =	sshll.u32 s17, $0x7  }
0x57: {  	s28 =	sand.u32 $0x380, s28;
	s16 =	sor.u32 s29, s11;
	s29 =	simm.s32 @!p2 $0x9  }
0x58: {  	[tilespmem:s1], [sflag:$0x3] =	stream.indirect.gather [hbm4b:s2+s18], $0x80, s7, s18, $0xb8;
	[tilespmem:$0x1B000] =	vst v63  }
0x59: {  	s11 =	sshll.u32 s21, $0x7;
	s21 =	sadd.s32 $0xFFFFFF00, s6;
	s7 =	sshll.u32 s17, $0x4  }
0x5a: {  	s17 =	simm.s32 @!p2 $0xA;
	s18 =	sadd.s32 @!p0 $0xFFFFFFFF, s10;
	s14 =	sadd.s32 s4, s14  }
0x5b: {  	s12 =	sshrl.u32 s16, $0x3;
	s11 =	sand.u32 $0x1F000, s11;
	s16 =	sshll.u32 @!p0 s10, $0x5  }
0x5c: {  	_ =	swait.ge [sflag:s23], $0x4000;
	s12 =	sadd.s32 s4, s12;
	s20 =	sor.u32 s20, s11  }
0x5d: {  	[sflag:s23] =	ssyncset.done $0x0;
	s11 =	sand.u32 $0x180, s21;
	s21 =	simm.s32 $0x7000  }
0x5e: {  	s15 =	sor.u32 s28, s20;
	[sflag:s23] =	ssyncadd.s32 $0xFFFFC000;
	s28 =	sand.u32 @!p0 $0x380, s16  }
0x5f: {  	s11 =	sor.u32 s5, s11;
	s23 =	sadd.s32 $0xFFFFFFFE, s10;
	s20 =	sadd.s32 $0xFFFFFF80, s6  }
0x60: {  	[hbm4b:s12+s22] =	stream.linear.scatter [tilespmem:s21], [sflag:$0x6], $0x4000, $0x38;
	[tilespmem:$0x1B000] =	vst v63  }
0x61: {  	s10 =	sshll.u32 @!p0 s10, $0x7;
	s6 =	sadd.s32 $0x280, s6;
	s11 =	sshll.u32 s11, $0x4  }
0x62: {  	s12 =	sand.u32 $0x180, s20;
	s20 =	simm.s32 $0x80;
	s16 =	sshll.u32 s23, $0x5  }
0x63: {  	s21 =	simm.s32 $0x13000;
	s10 =	sand.u32 @!p0 $0x1F000, s10;
	_ =	swait.ge @!p2 [sflag:s29], $0x4000  }
0x64: {  	s16 =	sand.u32 $0x380, s16;
	s12 =	sor.u32 s5, s12;
	[sflag:s29] =	ssyncset.done @!p2 $0x0  }
0x65: {  	[sflag:s29] =	ssyncadd.s32 @!p2 $0xFFFFC000;
	s29 =	sshll.u32 s23, $0x7;
	s23 =	simm.s32 $0x13000  }
0x66: {  	[tilespmem:s23], [sflag:$0x4] =	stream.indirect.gather [hbm4b:s2+s20], $0x80, s15, s20, $0xb8;
	[tilespmem:$0x1B000] =	vst v63  }
0x67: {  	s11 =	sadd.s32 s11, s14;
	s12 =	sshll.u32 s12, $0x4;
	s20 =	simm.s32 $0x2  }
0x68: {  	s29 =	sand.u32 $0x1F000, s29;
	s15 =	sshll.u32 @!p0 s18, $0x7;
	_ =	swait.ge [sflag:s20], $0x4000  }
0x69: {  	s23 =	sor.u32 s25, s29;
	s29 =	simm.s32 $0xB000;
	s25 =	sadd.s32 s4, s19  }
0x6a: {  	s19 =	sadd.s32 $0xFFFF0000, s13;
	s15 =	sand.u32 @!p0 $0x1F000, s15;
	s13 =	sadd.s32 $0x50000, s13  }
0x6b: {  	[sflag:s20] =	ssyncset.done $0x0;
	s14 =	sor.u32 s16, s23;
	s16 =	sshll.u32 @!p0 s18, $0x5  }
0x6c: {  	s18 =	simm.s32 $0x80;
	s23 =	simm.s32 $0x3;
	[sflag:s20] =	ssyncadd.s32 $0xFFFFC000  }
0x6d: {  	[hbm4b:s11+s22] =	stream.linear.scatter [tilespmem:s29], [sflag:$0x7], $0x4000, $0x38;
	[tilespmem:$0x1B000] =	vst v63  }
0x6e: {  	s20 =	smov.u32 s30;
	s16 =	sand.u32 @!p0 $0x380, s16;
	_ =	swait.ge @!p2 [sflag:s17], $0x4000  }
0x6f: {  	s30 =	simm.s32 $0x17000;
	s11 =	sadd.s32 s12, s25;
	[sflag:s17] =	ssyncset.done @!p2 $0x0  }
0x70: {  	s12 =	simm.s32 @!p0 $0x6;
	s25 =	simm.s32 @!p0 $0x80;
	[sflag:s17] =	ssyncadd.s32 @!p2 $0xFFFFC000  }
0x71: {  	[tilespmem:s30], [sflag:$0x5] =	stream.indirect.gather [hbm4b:s2+s18], $0x80, s14, s18, $0xb8;
	[tilespmem:$0x1B000] =	vst v63  }
0x72: {  	s17 =	simm.s32 $0x17000;
	s14 =	sor.u32 @!p0 s26, s15;
	_ =	swait.ge [sflag:s23], $0x4000  }
0x73: {  	s15 =	simm.s32 @!p0 $0x7000;
	s26 =	sshll.u32 s24, $0x4;
	[sflag:s23] =	ssyncset.done $0x0  }
0x74: {  	s24 =	simm.s32 @!p0 $0x7;
	s30 =	simm.s32 $0x4;
	[sflag:s23] =	ssyncadd.s32 $0xFFFFC000  }
0x75: {  	[hbm4b:s11+s22] =	stream.linear.scatter [tilespmem:s1], [sflag:$0x8], $0x4000, $0x38;
	[tilespmem:$0x1B000] =	vst v63  }
0x76: {  	s14 =	sor.u32 @!p0 s16, s14;
	s23 =	rddreg [dreg:$0x4];
	_ =	swait.ge @!p0 [sflag:s12], $0x4000  }
.Ltmp0:
0x77: {  	s10 =	sor.u32 @!p0 s23, s10;
	[sflag:s12] =	ssyncset.done @!p0 $0x0;
	(pc) =	sbr.rel @p1 .LBB2_2-.Ltmp0, $4  }
0x78: {  	s23 =	sor.u32 @!p0 s28, s10;
	s28 =	sand.u32 $0x3FC0000, s19;
	[sflag:s12] =	ssyncadd.s32 @!p0 $0xFFFFC000  }
0x79: {  	[tilespmem:s15], [sflag:$0x1] =	stream.indirect.gather @!p0 [hbm4b:s2+s25], $0x80, s14, s25, $0xb8;
	[tilespmem:$0x1B000] =	vst v63  }
0x7a: {  	s16 =	simm.s32 $0x5;
	s10 =	sadd.s32 s4, s28;
	_ =	swait.ge [sflag:s30], $0x4000  }
0x7b: {  	s1 =	simm.s32 $0x4;
	s26 =	sadd.s32 s26, s10;
	[sflag:s30] =	ssyncset.done $0x0  }
0x7c: {  	[sflag:s1] =	ssyncadd.s32 $0xFFFFC000;
	s2 =	simm.s32 $0x0  }
0x7d: {  	[hbm4b:s26+s2] =	stream.linear.scatter [tilespmem:s21], [sflag:$0x9], $0x4000, $0x38;
	[tilespmem:$0x1B000] =	vst v63  }
0x7e: {  	_ =	swait.ge @!p0 [sflag:s24], $0x4000  }
0x7f: {  	[sflag:s24] =	ssyncset.done @!p0 $0x0  }
0x80: {  	[sflag:s24] =	ssyncadd.s32 @!p0 $0xFFFFC000  }
0x81: {  	s0 =	simm.s32 @!p0 $0xB000;
	s1 =	rddreg [dreg:$0x1]  }
0x82: {  	[tilespmem:s0], [sflag:$0x2] =	stream.indirect.gather @!p0 [hbm4b:s1+s25], $0x80, s23, s25, $0xb8;
	[tilespmem:$0x1B000] =	vst v63  }
0x83: {  	_ =	swait.ge [sflag:s16], $0x4000  }
0x84: {  	s19 =	sand.u32 $0x3FC0000, s20;
	s20 =	rddreg [dreg:$0x2]  }
0x85: {  	[sflag:s16] =	ssyncset.done $0x0;
	s3 =	sadd.s32 s20, s7  }
0x86: {  	s23 =	simm.s32 $0x6;
	[sflag:s16] =	ssyncadd.s32 $0xFFFFC000;
	s0 =	sadd.s32 s19, s3  }
0x87: {  	[hbm4b:s0+s2] =	stream.linear.scatter [tilespmem:s17], [sflag:$0xA], $0x4000, $0x38;
	[tilespmem:$0x1B000] =	vst v63  }
0x88: {  	_ =	swait.ge [sflag:s23], $0x4000  }
0x89: {  	[sflag:s23] =	ssyncset.done $0x0  }
0x8a: {  	s24 =	simm.s32 $0x7;
	[sflag:s23] =	ssyncadd.s32 $0xFFFFC000  }
0x8b: {  	_ =	swait.ge [sflag:s24], $0x4000  }
0x8c: {  	[sflag:s24] =	ssyncset.done $0x0  }
0x8d: {  	s25 =	simm.s32 $0x8;
	[sflag:s24] =	ssyncadd.s32 $0xFFFFC000  }
0x8e: {  	_ =	swait.ge [sflag:s25], $0x4000  }
0x8f: {  	[sflag:s25] =	ssyncset.done $0x0  }
0x90: {  	s26 =	simm.s32 $0x9;
	[sflag:s25] =	ssyncadd.s32 $0xFFFFC000  }
0x91: {  	_ =	swait.ge [sflag:s26], $0x4000  }
0x92: {  	[sflag:s26] =	ssyncset.done $0x0  }
0x93: {  	s28 =	simm.s32 $0xA;
	[sflag:s26] =	ssyncadd.s32 $0xFFFFC000  }
0x94: {  	_ =	swait.ge [sflag:s28], $0x4000  }
0x95: {  	s30 =	rddreg [dreg:$0x7]  }
0x96: {  	s31 =	rddreg [dreg:$0x6];
	s2 =	sadd.s32 $0x1, s30  }
0x97: {  	p0 =	sne.s32 s2, s31  }
.Ltmp1:
0x98: {  	_ = 	snop;
	(pc) =	sbr.rel @p0 .LBB2_1-.Ltmp1, $3  }
0x99: {  	_ =	sdelay $0x1  }
0x9a: {  	s11 =	simm.s32 $0xF000;
	s12 =	simm.s32 $0x1;
	[sflag:s28] =	ssyncset.done $0x0  }
0x9b: {  	s14 =	simm.s32 $0x2;
	s15 =	simm.s32 $0x3;
	[sflag:s28] =	ssyncadd.s32 $0xFFFFC000  }
0x9c: {  	_ =	sfence.sel $0x180000  }
0x9d: {  	[bflag:$0x0] =	sbarrier.arrive $0xFFFF  }
0x9e: {  	_ =	strace $0x90000047  }
0x9f: {  	s0 =	stileid.u32;
	[bflag:$0x2] =	sbarrier.arrive $0xFFFF  }
0xa0: {  	p0 =	sne.s32 s0, $0x0;
	s0 =	rddreg [dreg:$0x3]  }
0xa1: {  	s0 =	sadd.s32 @!p0 $0x100000, s0  }
0xa2: {  	[sflag:s0] =	ssyncadd.tile.s32 @!p0 $0x1;
	_ =	shalt  }
.Lfunc_end2:
_tile_overlayer_lowered:
.L_overlay_start_2:
0xa3: {  	(tag) =	ssettag $0x2  }
0xa4: {  	s0 =	rddreg [dreg:$0x0];
	s2 =	stileid.u32  }
0xa5: {  	s1 =	rddreg [dreg:$0x1];
	p0 =	sne.s32 s2, $0x0  }
0xa6: {  	s3 =	rddreg [dreg:$0x2];
	[bflag:$0x3] =	sbarrier.arrive $0xFFFF;
	s2 =	simm.s32 @!p0 $0x1C0B  }
0xa7: {  	[timem:s3], [sflag:s2] =	dma.local @!p0 [hbm:s0], s1  }
0xa8: {  	s0 =	simm.s32 @!p0 $0xB  }
0xa9: {  	_ =	swait.ge @!p0 [sflag:s0], s1  }
0xaa: {  	s1 =	ssub.s32 @!p0 $0x0, s1;
	[sflag:s0] =	ssyncset.done @!p0 $0x0  }
0xab: {  	[sflag:s0] =	ssyncadd.s32 @!p0 s1  }
0xac: {  	[bflag:$0x3] =	sbarrier.arrive $0xFFFF  }
0xad: {  	_ =	shalt  }

</sc_bundles>
